<compile_context>
chip_gen: v7x
topology: tpu7x:2x2x1
jax: 0.10.2.dev20260603
libtpu: 0.0.44.dev20260713+nightly
codegen_flags: <defaults>
</compile_context>

<pallas_src>
import functools

import jax
import jax.numpy as jnp
from jax import lax
from jax.experimental import pallas as pl
from jax.experimental.pallas import tpu as pltpu
from jax.experimental.pallas import tpu_sc as plsc

N = 10000
B = 4
C = 128
E = 320000

NC = 2
NS = 16
CH = 128

NJ = 10240
SROWS = NJ // NS
ZB = 160

CHUNKS_A = 80
E_PAD_A = NC * NS * CHUNKS_A * CH
NGA = CHUNKS_A // 4

CHUNKS_C = 157
E_PAD_C = NS * CHUNKS_C * CH

_mesh = functools.partial(
    plsc.VectorSubcoreMesh, core_axis_name="c", subcore_axis_name="s"
)


def _deg_body(colp, ones, zeros, deg_out, ones_v, ci_v, acc_sh):
  c = lax.axis_index("c")
  s = lax.axis_index("s")
  pltpu.sync_copy(ones, ones_v)
  for j in range(SROWS // ZB):
    pltpu.sync_copy(zeros, acc_sh.at[pl.ds(s * SROWS + j * ZB, ZB)])
  plsc.subcore_barrier()

  base = (c * NS + s) * (CHUNKS_A * CH)

  def grp(g, _):
    pltpu.sync_copy(colp.at[pl.ds(base + g * CH, CH)], ci_v)
    pltpu.sync_copy(ones_v, acc_sh.at[ci_v], add=True)
    return 0

  lax.fori_loop(0, CHUNKS_A, grp, 0)
  plsc.subcore_barrier()
  pltpu.sync_copy(
      acc_sh.at[pl.ds(s * SROWS, SROWS)],
      deg_out.at[pl.ds(c * NJ + s * SROWS, SROWS)],
  )


def _scat_body(rowsp, colp, xs, out, ri_v, ci_v, gbuf, sem, acc_sh):
  c = lax.axis_index("c")
  s = lax.axis_index("s")
  for r in range(2):
    b = 2 * r + c
    pltpu.sync_copy(
        xs.at[pl.ds(b * NJ + s * SROWS, SROWS)],
        acc_sh.at[pl.ds(s * SROWS, SROWS)],
    )
    plsc.subcore_barrier()
    ebase = b * E_PAD_C + s * (CHUNKS_C * CH)
    cbase = s * (CHUNKS_C * CH)

    def body(g, _):
      pltpu.sync_copy(rowsp.at[pl.ds(ebase + g * CH, CH)], ri_v)
      pltpu.async_copy(xs.at[ri_v], gbuf, sem).wait()
      pltpu.sync_copy(colp.at[pl.ds(cbase + g * CH, CH)], ci_v)
      pltpu.sync_copy(gbuf, acc_sh.at[ci_v], add=True)
      return 0

    lax.fori_loop(0, CHUNKS_C, body, 0)
    plsc.subcore_barrier()
    pltpu.sync_copy(
        acc_sh.at[pl.ds(s * SROWS, SROWS)],
        out.at[pl.ds(b * NJ + s * SROWS, SROWS)],
    )
    plsc.subcore_barrier()


def _dis_block(d0_ref, d1_ref):
  deg = d0_ref[:, 0:1] + d1_ref[:, 0:1] + 1.0
  return lax.rsqrt(deg)


def _mm_body(x_ref, w_ref, d0_ref, d1_ref, o_ref):
  xw = jnp.dot(x_ref[...], w_ref[...], preferred_element_type=jnp.float32)
  o_ref[...] = xw * _dis_block(d0_ref, d1_ref)


def _fin_body(a_ref, d0_ref, d1_ref, b_ref, o_ref):
  o_ref[...] = a_ref[...] * _dis_block(d0_ref, d1_ref) + b_ref[...]


def kernel(x, edge_index, W, b):
  row = edge_index[0].astype(jnp.int32)
  col = edge_index[1].astype(jnp.int32)

  colp_a = jnp.concatenate([col, jnp.full((E_PAD_A - E,), N, jnp.int32)])
  colp_c = jnp.concatenate([col, jnp.full((E_PAD_C - E,), N, jnp.int32)])
  rowp = jnp.concatenate([row, jnp.zeros((E_PAD_C - E,), jnp.int32)])
  rows4 = (rowp[None, :] + (jnp.arange(B, dtype=jnp.int32) * NJ)[:, None])
  rows4 = rows4.reshape(-1)

  xp = jnp.pad(x, ((0, 0), (0, NJ - N), (0, 0))).reshape(B * NJ, C)

  ones = jnp.ones((CH, 128), jnp.float32)
  zeros = jnp.zeros((ZB, 128), jnp.float32)

  deg_part = pl.kernel(
      _deg_body,
      out_type=jax.ShapeDtypeStruct((NC * NJ, 128), jnp.float32),
      mesh=_mesh(),
      scratch_types=[
          pltpu.VMEM((CH, 128), jnp.float32),
          pltpu.VMEM((CH,), jnp.int32),
          pltpu.VMEM_SHARED((NJ, 128), jnp.float32),
      ],
      name="gcn_degree_sc",
  )(colp_a, ones, zeros)
  deg0 = deg_part[:NJ]
  deg1 = deg_part[NJ:]

  grid = (B * NJ // SROWS,)
  dmap = lambda i: (i % NS, 0)
  xs = pl.pallas_call(
      _mm_body,
      grid=grid,
      in_specs=[
          pl.BlockSpec((SROWS, C), lambda i: (i, 0)),
          pl.BlockSpec((C, C), lambda i: (0, 0)),
          pl.BlockSpec((SROWS, 128), dmap),
          pl.BlockSpec((SROWS, 128), dmap),
      ],
      out_specs=pl.BlockSpec((SROWS, C), lambda i: (i, 0)),
      out_shape=jax.ShapeDtypeStruct((B * NJ, C), jnp.float32),
      name="gcn_xw_scale_tc",
  )(xp, W, deg0, deg1)

  acc = pl.kernel(
      _scat_body,
      out_type=jax.ShapeDtypeStruct((B * NJ, C), jnp.float32),
      mesh=_mesh(),
      scratch_types=[
          pltpu.VMEM((CH,), jnp.int32),
          pltpu.VMEM((CH,), jnp.int32),
          pltpu.VMEM((CH, C), jnp.float32),
          pltpu.SemaphoreType.DMA,
          pltpu.VMEM_SHARED((NJ, C), jnp.float32),
      ],
      name="gcn_edge_scatter_sc",
  )(rows4, colp_c, xs)

  out = pl.pallas_call(
      _fin_body,
      grid=grid,
      in_specs=[
          pl.BlockSpec((SROWS, C), lambda i: (i, 0)),
          pl.BlockSpec((SROWS, 128), dmap),
          pl.BlockSpec((SROWS, 128), dmap),
          pl.BlockSpec((1, C), lambda i: (0, 0)),
      ],
      out_specs=pl.BlockSpec((SROWS, C), lambda i: (i, 0)),
      out_shape=jax.ShapeDtypeStruct((B * NJ, C), jnp.float32),
      name="gcn_finalize_tc",
  )(acc, deg0, deg1, b.reshape(1, C))

  return out.reshape(B, NJ, C)[:, :N]

# --- scband reference (transcript-rebuilt; emitter-appended) ---
"""Pipeline reference for scband-graph-layer-35510789603863 (READ-ONLY COPY).

The authoritative reference and input builder live on the scoring server;
editing this copy changes nothing except your own understanding.
"""

import jax, jax.numpy as jnp
import numpy as np

IN_CHANNELS = 128
OUT_CHANNELS = 128
B, N, E = 4, 10000, 320000

def setup_inputs(seed: int = 0) -> dict:
    key = jax.random.key(seed)
    k1, k2, k3, k4 = jax.random.split(key, 4)
    x = jax.random.normal(k1, (B, N, IN_CHANNELS), dtype=jnp.float32)
    edge_index = jax.random.randint(k2, (2, E), 0, N, dtype=jnp.int64)
    # GCNConv linear weight (glorot-style init) and bias
    W = jax.random.normal(k3, (IN_CHANNELS, OUT_CHANNELS), dtype=jnp.float32) * (1.0 / np.sqrt(IN_CHANNELS))
    b = jnp.zeros((OUT_CHANNELS,), dtype=jnp.float32)
    return {"x": x, "edge_index": edge_index, "W": W, "b": b}


def _batch_edge_index(edge_index, batch_size, num_nodes):
    # edges: (1, 2, E); offsets: (B, 1, 1)
    offsets = (jnp.arange(batch_size, dtype=edge_index.dtype) * num_nodes).reshape(-1, 1, 1)
    edges = edge_index[None, :, :]
    batched = edges + offsets            # (B, 2, E)
    batched = jnp.transpose(batched, (1, 0, 2)).reshape(2, -1)  # (2, B*E)
    return batched


def reference(x, edge_index, W, b):
    Bv, Nv, C = x.shape
    xf = x.reshape(Bv * Nv, C)
    ei = _batch_edge_index(edge_index, Bv, Nv)
    NN = Bv * Nv
    # GCNConv semantics: add self-loops, symmetric normalization
    loop = jnp.arange(NN, dtype=ei.dtype)
    row = jnp.concatenate([ei[0], loop])  # source
    col = jnp.concatenate([ei[1], loop])  # target
    xw = xf @ W  # (NN, OUT)
    ew = jnp.ones(row.shape[0], dtype=xw.dtype)
    deg = jnp.zeros(NN, dtype=xw.dtype).at[col].add(ew)
    deg_inv_sqrt = jnp.where(deg > 0, 1.0 / jnp.sqrt(deg), 0.0)
    norm = deg_inv_sqrt[row] * ew * deg_inv_sqrt[col]
    msgs = xw[row] * norm[:, None]
    out = jnp.zeros((NN, xw.shape[1]), dtype=xw.dtype).at[col].add(msgs)
    out = out + b
    return out.reshape(Bv, Nv, -1)

if __name__ == "__main__":
    import jax
    _d = setup_inputs()
    print(jax.jit(kernel)(*tuple(_d.values())))

</pallas_src>

<mosaic_0001>
#map = affine_map<(d0, d1) -> (0)>
#map1 = affine_map<(d0, d1) -> (0, 0)>
module attributes {stable_mosaic.version = 14 : i64} {
  func.func @gcn_edge_scatter_sc(%arg0: i32, %arg1: i32, %arg2: memref<1286144xi32, #tpu.memory_space<hbm>>, %arg3: memref<321536xi32, #tpu.memory_space<hbm>>, %arg4: memref<40960x128xf32, #tpu.memory_space<hbm>>, %arg5: memref<40960x128xf32, #tpu.memory_space<hbm>>, %arg6: memref<128xi32, #tpu.memory_space<vmem>>, %arg7: memref<128xi32, #tpu.memory_space<vmem>>, %arg8: memref<128x128xf32, #tpu.memory_space<vmem>>, %arg9: memref<!tpu.dma_semaphore, #tpu.memory_space<semaphore_mem>>, %arg10: memref<10240x128xf32, #tpu.memory_space<vmem_shared>>) attributes {dimension_semantics = [#tpu.dimension_semantics<core_parallel>, #tpu.dimension_semantics<subcore_parallel>], iteration_bounds = array<i64: 2, 16>, scalar_prefetch = 0 : i64, scratch_operands = 5 : i64, tpu.core_type = #tpu.core_type<sc_vector_subcore>, window_params = [{transform_indices = #map}, {transform_indices = #map}, {transform_indices = #map1}, {transform_indices = #map1}]} {
    %add3A = arith.constant 0 : i32
    %add3A_0 = arith.addi %add3A, %arg0 : i32
    %mul3A = arith.constant 10240 : i32
    %mul3A_1 = arith.muli %add3A_0, %mul3A : i32
    %mul3A_2 = arith.constant 640 : i32
    %mul3A_3 = arith.muli %arg1, %mul3A_2 : i32
    %add3A_4 = arith.addi %mul3A_1, %mul3A_3 : i32
    %mul3A_5 = arith.constant 640 : i32
    %mul3A_6 = arith.muli %arg1, %mul3A_5 : i32
    "tpu.region"() ({
      %run_scoped3A = tpu.sem_alloc : memref<!tpu.dma_semaphore, #tpu.memory_space<semaphore_mem>>
      %dma_start3A = arith.constant 0 : i32
      %dma_start3A_62 = tpu.memref_slice %arg10[%mul3A_6, %dma_start3A] : memref<10240x128xf32, #tpu.memory_space<vmem_shared>> -> memref<640x128xf32, #tpu.memory_space<vmem_shared>>
      %dma_start3A_63 = arith.constant 0 : i32
      %dma_start3A_64 = tpu.memref_slice %arg4[%add3A_4, %dma_start3A_63] : memref<40960x128xf32, #tpu.memory_space<hbm>> -> memref<640x128xf32, #tpu.memory_space<hbm>>
      tpu.enqueue_dma source(%dma_start3A_64 : memref<640x128xf32, #tpu.memory_space<hbm>>) target(%dma_start3A_62 : memref<640x128xf32, #tpu.memory_space<vmem_shared>>) target_semaphore(%run_scoped3A : memref<!tpu.dma_semaphore, #tpu.memory_space<semaphore_mem>>)
      %dma_wait3A = arith.constant 0 : i32
      %dma_wait3A_65 = tpu.memref_slice %arg10[%mul3A_6, %dma_wait3A] : memref<10240x128xf32, #tpu.memory_space<vmem_shared>> -> memref<640x128xf32, #tpu.memory_space<vmem_shared>>
      %dma_wait3A_66 = arith.constant 0 : i32
      %dma_wait3A_67 = tpu.memref_slice %arg4[%add3A_4, %dma_wait3A_66] : memref<40960x128xf32, #tpu.memory_space<hbm>> -> memref<640x128xf32, #tpu.memory_space<hbm>>
      tpu.wait_dma2 semaphore(%run_scoped3A : memref<!tpu.dma_semaphore, #tpu.memory_space<semaphore_mem>>) src(%dma_wait3A_67 : memref<640x128xf32, #tpu.memory_space<hbm>>) dst(%dma_wait3A_65 : memref<640x128xf32, #tpu.memory_space<vmem_shared>>)
      tpu.yield
    }) : () -> ()
    %barrier3A = arith.constant 0 : index
    tpu.barrier barrier_id(%barrier3A)
    %mul3A_7 = arith.constant 321536 : i32
    %mul3A_8 = arith.muli %add3A_0, %mul3A_7 : i32
    %mul3A_9 = arith.constant 20096 : i32
    %mul3A_10 = arith.muli %arg1, %mul3A_9 : i32
    %add3A_11 = arith.addi %mul3A_8, %mul3A_10 : i32
    %mul3A_12 = arith.constant 20096 : i32
    %mul3A_13 = arith.muli %arg1, %mul3A_12 : i32
    %scan3A = arith.constant 0 : i32
    %scan3A_14 = arith.constant 0 : i32
    %scan3A_15 = arith.constant 157 : i32
    %scan3A_16 = arith.addi %scan3A_14, %scan3A_15 : i32
    %scan3A_17 = arith.constant 1 : i32
    %scan3A_18 = scf.for %scan3A_62 = %scan3A_14 to %scan3A_16 step %scan3A_17 iter_args(%scan3A_63 = %scan3A) -> (i32)  : i32 {
      %mul3A_64 = arith.constant 128 : i32
      %mul3A_65 = arith.muli %scan3A_62, %mul3A_64 : i32
      %add3A_66 = arith.addi %add3A_11, %mul3A_65 : i32
      "tpu.region"() ({
        %run_scoped3A = tpu.sem_alloc : memref<!tpu.dma_semaphore, #tpu.memory_space<semaphore_mem>>
        %dma_start3A_75 = tpu.memref_slice %arg2[%add3A_66] : memref<1286144xi32, #tpu.memory_space<hbm>> -> memref<128xi32, #tpu.memory_space<hbm>>
        %dma_start3A_76 = tpu.memref_slice %arg2[%add3A_66] : memref<1286144xi32, #tpu.memory_space<hbm>> -> memref<128xi32, #tpu.memory_space<hbm>>
        tpu.enqueue_dma source(%dma_start3A_76 : memref<128xi32, #tpu.memory_space<hbm>>) target(%arg6 : memref<128xi32, #tpu.memory_space<vmem>>) target_semaphore(%run_scoped3A : memref<!tpu.dma_semaphore, #tpu.memory_space<semaphore_mem>>)
        %dma_wait3A_77 = tpu.memref_slice %arg2[%add3A_66] : memref<1286144xi32, #tpu.memory_space<hbm>> -> memref<128xi32, #tpu.memory_space<hbm>>
        %dma_wait3A_78 = tpu.memref_slice %arg2[%add3A_66] : memref<1286144xi32, #tpu.memory_space<hbm>> -> memref<128xi32, #tpu.memory_space<hbm>>
        tpu.wait_dma2 semaphore(%run_scoped3A : memref<!tpu.dma_semaphore, #tpu.memory_space<semaphore_mem>>) src(%dma_wait3A_78 : memref<128xi32, #tpu.memory_space<hbm>>) dst(%arg6 : memref<128xi32, #tpu.memory_space<vmem>>)
        tpu.yield
      }) : () -> ()
      %dma_start3A = arith.constant 0 : i32
      %dma_start3A_67 = arith.constant 0 : i32
      %dma_start3A_68 = tpu.memref_slice %arg4[%dma_start3A, %dma_start3A_67] : memref<40960x128xf32, #tpu.memory_space<hbm>> -> memref<40960x128xf32, #tpu.memory_space<hbm>>
      tpu.enqueue_indirect_dma source(%dma_start3A_68 : memref<40960x128xf32, #tpu.memory_space<hbm>>) target(%arg8 : memref<128x128xf32, #tpu.memory_space<vmem>>) offsets(%arg6 : memref<128xi32, #tpu.memory_space<vmem>>) semaphore(%arg9 : memref<!tpu.dma_semaphore, #tpu.memory_space<semaphore_mem>>)
      %dma_wait3A = arith.constant 0 : i32
      %dma_wait3A_69 = arith.constant 0 : i32
      %dma_wait3A_70 = tpu.memref_slice %arg4[%dma_wait3A, %dma_wait3A_69] : memref<40960x128xf32, #tpu.memory_space<hbm>> -> memref<40960x128xf32, #tpu.memory_space<hbm>>
      tpu.wait_indirect_dma semaphore(%arg9 : memref<!tpu.dma_semaphore, #tpu.memory_space<semaphore_mem>>) src(%dma_wait3A_70 : memref<40960x128xf32, #tpu.memory_space<hbm>>) dst(%arg8 : memref<128x128xf32, #tpu.memory_space<vmem>>)
      %mul3A_71 = arith.constant 128 : i32
      %mul3A_72 = arith.muli %scan3A_62, %mul3A_71 : i32
      %add3A_73 = arith.addi %mul3A_13, %mul3A_72 : i32
      "tpu.region"() ({
        %run_scoped3A = tpu.sem_alloc : memref<!tpu.dma_semaphore, #tpu.memory_space<semaphore_mem>>
        %dma_start3A_75 = tpu.memref_slice %arg3[%add3A_73] : memref<321536xi32, #tpu.memory_space<hbm>> -> memref<128xi32, #tpu.memory_space<hbm>>
        %dma_start3A_76 = tpu.memref_slice %arg3[%add3A_73] : memref<321536xi32, #tpu.memory_space<hbm>> -> memref<128xi32, #tpu.memory_space<hbm>>
        tpu.enqueue_dma source(%dma_start3A_76 : memref<128xi32, #tpu.memory_space<hbm>>) target(%arg7 : memref<128xi32, #tpu.memory_space<vmem>>) target_semaphore(%run_scoped3A : memref<!tpu.dma_semaphore, #tpu.memory_space<semaphore_mem>>)
        %dma_wait3A_77 = tpu.memref_slice %arg3[%add3A_73] : memref<321536xi32, #tpu.memory_space<hbm>> -> memref<128xi32, #tpu.memory_space<hbm>>
        %dma_wait3A_78 = tpu.memref_slice %arg3[%add3A_73] : memref<321536xi32, #tpu.memory_space<hbm>> -> memref<128xi32, #tpu.memory_space<hbm>>
        tpu.wait_dma2 semaphore(%run_scoped3A : memref<!tpu.dma_semaphore, #tpu.memory_space<semaphore_mem>>) src(%dma_wait3A_78 : memref<128xi32, #tpu.memory_space<hbm>>) dst(%arg7 : memref<128xi32, #tpu.memory_space<vmem>>)
        tpu.yield
      }) : () -> ()
      "tpu.region"() ({
        %run_scoped3A = tpu.sem_alloc : memref<!tpu.dma_semaphore, #tpu.memory_space<semaphore_mem>>
        %dma_start3A_75 = arith.constant 0 : i32
        %dma_start3A_76 = arith.constant 0 : i32
        %dma_start3A_77 = tpu.memref_slice %arg10[%dma_start3A_75, %dma_start3A_76] : memref<10240x128xf32, #tpu.memory_space<vmem_shared>> -> memref<10240x128xf32, #tpu.memory_space<vmem_shared>>
        tpu.enqueue_indirect_dma source(%arg8 : memref<128x128xf32, #tpu.memory_space<vmem>>) target(%dma_start3A_77 : memref<10240x128xf32, #tpu.memory_space<vmem_shared>>) offsets(%arg7 : memref<128xi32, #tpu.memory_space<vmem>>) semaphore(%run_scoped3A : memref<!tpu.dma_semaphore, #tpu.memory_space<semaphore_mem>>) {add = true}
        %dma_wait3A_78 = arith.constant 0 : i32
        %dma_wait3A_79 = arith.constant 0 : i32
        %dma_wait3A_80 = tpu.memref_slice %arg10[%dma_wait3A_78, %dma_wait3A_79] : memref<10240x128xf32, #tpu.memory_space<vmem_shared>> -> memref<10240x128xf32, #tpu.memory_space<vmem_shared>>
        tpu.wait_indirect_dma semaphore(%run_scoped3A : memref<!tpu.dma_semaphore, #tpu.memory_space<semaphore_mem>>) src(%arg8 : memref<128x128xf32, #tpu.memory_space<vmem>>) dst(%dma_wait3A_80 : memref<10240x128xf32, #tpu.memory_space<vmem_shared>>)
        tpu.yield
      }) : () -> ()
      %scan3A_74 = arith.constant 0 : i32
      scf.yield %scan3A_74 : i32
    }
    %scan3A_19 = arith.constant 157 : i32
    %barrier3A_20 = arith.constant 0 : index
    tpu.barrier barrier_id(%barrier3A_20)
    %mul3A_21 = arith.constant 640 : i32
    %mul3A_22 = arith.muli %arg1, %mul3A_21 : i32
    %mul3A_23 = arith.constant 10240 : i32
    %mul3A_24 = arith.muli %add3A_0, %mul3A_23 : i32
    %mul3A_25 = arith.constant 640 : i32
    %mul3A_26 = arith.muli %arg1, %mul3A_25 : i32
    %add3A_27 = arith.addi %mul3A_24, %mul3A_26 : i32
    "tpu.region"() ({
      %run_scoped3A = tpu.sem_alloc : memref<!tpu.dma_semaphore, #tpu.memory_space<semaphore_mem>>
      %dma_start3A = arith.constant 0 : i32
      %dma_start3A_62 = tpu.memref_slice %arg5[%add3A_27, %dma_start3A] : memref<40960x128xf32, #tpu.memory_space<hbm>> -> memref<640x128xf32, #tpu.memory_space<hbm>>
      %dma_start3A_63 = arith.constant 0 : i32
      %dma_start3A_64 = tpu.memref_slice %arg10[%mul3A_22, %dma_start3A_63] : memref<10240x128xf32, #tpu.memory_space<vmem_shared>> -> memref<640x128xf32, #tpu.memory_space<vmem_shared>>
      tpu.enqueue_dma source(%dma_start3A_64 : memref<640x128xf32, #tpu.memory_space<vmem_shared>>) target(%dma_start3A_62 : memref<640x128xf32, #tpu.memory_space<hbm>>) target_semaphore(%run_scoped3A : memref<!tpu.dma_semaphore, #tpu.memory_space<semaphore_mem>>)
      %dma_wait3A = arith.constant 0 : i32
      %dma_wait3A_65 = tpu.memref_slice %arg5[%add3A_27, %dma_wait3A] : memref<40960x128xf32, #tpu.memory_space<hbm>> -> memref<640x128xf32, #tpu.memory_space<hbm>>
      %dma_wait3A_66 = arith.constant 0 : i32
      %dma_wait3A_67 = tpu.memref_slice %arg10[%mul3A_22, %dma_wait3A_66] : memref<10240x128xf32, #tpu.memory_space<vmem_shared>> -> memref<640x128xf32, #tpu.memory_space<vmem_shared>>
      tpu.wait_dma2 semaphore(%run_scoped3A : memref<!tpu.dma_semaphore, #tpu.memory_space<semaphore_mem>>) src(%dma_wait3A_67 : memref<640x128xf32, #tpu.memory_space<vmem_shared>>) dst(%dma_wait3A_65 : memref<640x128xf32, #tpu.memory_space<hbm>>)
      tpu.yield
    }) : () -> ()
    %barrier3A_28 = arith.constant 0 : index
    tpu.barrier barrier_id(%barrier3A_28)
    %add3A_29 = arith.constant 2 : i32
    %add3A_30 = arith.addi %add3A_29, %arg0 : i32
    %mul3A_31 = arith.constant 10240 : i32
    %mul3A_32 = arith.muli %add3A_30, %mul3A_31 : i32
    %mul3A_33 = arith.constant 640 : i32
    %mul3A_34 = arith.muli %arg1, %mul3A_33 : i32
    %add3A_35 = arith.addi %mul3A_32, %mul3A_34 : i32
    %mul3A_36 = arith.constant 640 : i32
    %mul3A_37 = arith.muli %arg1, %mul3A_36 : i32
    "tpu.region"() ({
      %run_scoped3A = tpu.sem_alloc : memref<!tpu.dma_semaphore, #tpu.memory_space<semaphore_mem>>
      %dma_start3A = arith.constant 0 : i32
      %dma_start3A_62 = tpu.memref_slice %arg10[%mul3A_37, %dma_start3A] : memref<10240x128xf32, #tpu.memory_space<vmem_shared>> -> memref<640x128xf32, #tpu.memory_space<vmem_shared>>
      %dma_start3A_63 = arith.constant 0 : i32
      %dma_start3A_64 = tpu.memref_slice %arg4[%add3A_35, %dma_start3A_63] : memref<40960x128xf32, #tpu.memory_space<hbm>> -> memref<640x128xf32, #tpu.memory_space<hbm>>
      tpu.enqueue_dma source(%dma_start3A_64 : memref<640x128xf32, #tpu.memory_space<hbm>>) target(%dma_start3A_62 : memref<640x128xf32, #tpu.memory_space<vmem_shared>>) target_semaphore(%run_scoped3A : memref<!tpu.dma_semaphore, #tpu.memory_space<semaphore_mem>>)
      %dma_wait3A = arith.constant 0 : i32
      %dma_wait3A_65 = tpu.memref_slice %arg10[%mul3A_37, %dma_wait3A] : memref<10240x128xf32, #tpu.memory_space<vmem_shared>> -> memref<640x128xf32, #tpu.memory_space<vmem_shared>>
      %dma_wait3A_66 = arith.constant 0 : i32
      %dma_wait3A_67 = tpu.memref_slice %arg4[%add3A_35, %dma_wait3A_66] : memref<40960x128xf32, #tpu.memory_space<hbm>> -> memref<640x128xf32, #tpu.memory_space<hbm>>
      tpu.wait_dma2 semaphore(%run_scoped3A : memref<!tpu.dma_semaphore, #tpu.memory_space<semaphore_mem>>) src(%dma_wait3A_67 : memref<640x128xf32, #tpu.memory_space<hbm>>) dst(%dma_wait3A_65 : memref<640x128xf32, #tpu.memory_space<vmem_shared>>)
      tpu.yield
    }) : () -> ()
    %barrier3A_38 = arith.constant 0 : index
    tpu.barrier barrier_id(%barrier3A_38)
    %mul3A_39 = arith.constant 321536 : i32
    %mul3A_40 = arith.muli %add3A_30, %mul3A_39 : i32
    %mul3A_41 = arith.constant 20096 : i32
    %mul3A_42 = arith.muli %arg1, %mul3A_41 : i32
    %add3A_43 = arith.addi %mul3A_40, %mul3A_42 : i32
    %mul3A_44 = arith.constant 20096 : i32
    %mul3A_45 = arith.muli %arg1, %mul3A_44 : i32
    %scan3A_46 = arith.constant 0 : i32
    %scan3A_47 = arith.constant 0 : i32
    %scan3A_48 = arith.constant 157 : i32
    %scan3A_49 = arith.addi %scan3A_47, %scan3A_48 : i32
    %scan3A_50 = arith.constant 1 : i32
    %scan3A_51 = scf.for %scan3A_62 = %scan3A_47 to %scan3A_49 step %scan3A_50 iter_args(%scan3A_63 = %scan3A_46) -> (i32)  : i32 {
      %mul3A_64 = arith.constant 128 : i32
      %mul3A_65 = arith.muli %scan3A_62, %mul3A_64 : i32
      %add3A_66 = arith.addi %add3A_43, %mul3A_65 : i32
      "tpu.region"() ({
        %run_scoped3A = tpu.sem_alloc : memref<!tpu.dma_semaphore, #tpu.memory_space<semaphore_mem>>
        %dma_start3A_75 = tpu.memref_slice %arg2[%add3A_66] : memref<1286144xi32, #tpu.memory_space<hbm>> -> memref<128xi32, #tpu.memory_space<hbm>>
        %dma_start3A_76 = tpu.memref_slice %arg2[%add3A_66] : memref<1286144xi32, #tpu.memory_space<hbm>> -> memref<128xi32, #tpu.memory_space<hbm>>
        tpu.enqueue_dma source(%dma_start3A_76 : memref<128xi32, #tpu.memory_space<hbm>>) target(%arg6 : memref<128xi32, #tpu.memory_space<vmem>>) target_semaphore(%run_scoped3A : memref<!tpu.dma_semaphore, #tpu.memory_space<semaphore_mem>>)
        %dma_wait3A_77 = tpu.memref_slice %arg2[%add3A_66] : memref<1286144xi32, #tpu.memory_space<hbm>> -> memref<128xi32, #tpu.memory_space<hbm>>
        %dma_wait3A_78 = tpu.memref_slice %arg2[%add3A_66] : memref<1286144xi32, #tpu.memory_space<hbm>> -> memref<128xi32, #tpu.memory_space<hbm>>
        tpu.wait_dma2 semaphore(%run_scoped3A : memref<!tpu.dma_semaphore, #tpu.memory_space<semaphore_mem>>) src(%dma_wait3A_78 : memref<128xi32, #tpu.memory_space<hbm>>) dst(%arg6 : memref<128xi32, #tpu.memory_space<vmem>>)
        tpu.yield
      }) : () -> ()
      %dma_start3A = arith.constant 0 : i32
      %dma_start3A_67 = arith.constant 0 : i32
      %dma_start3A_68 = tpu.memref_slice %arg4[%dma_start3A, %dma_start3A_67] : memref<40960x128xf32, #tpu.memory_space<hbm>> -> memref<40960x128xf32, #tpu.memory_space<hbm>>
      tpu.enqueue_indirect_dma source(%dma_start3A_68 : memref<40960x128xf32, #tpu.memory_space<hbm>>) target(%arg8 : memref<128x128xf32, #tpu.memory_space<vmem>>) offsets(%arg6 : memref<128xi32, #tpu.memory_space<vmem>>) semaphore(%arg9 : memref<!tpu.dma_semaphore, #tpu.memory_space<semaphore_mem>>)
      %dma_wait3A = arith.constant 0 : i32
      %dma_wait3A_69 = arith.constant 0 : i32
      %dma_wait3A_70 = tpu.memref_slice %arg4[%dma_wait3A, %dma_wait3A_69] : memref<40960x128xf32, #tpu.memory_space<hbm>> -> memref<40960x128xf32, #tpu.memory_space<hbm>>
      tpu.wait_indirect_dma semaphore(%arg9 : memref<!tpu.dma_semaphore, #tpu.memory_space<semaphore_mem>>) src(%dma_wait3A_70 : memref<40960x128xf32, #tpu.memory_space<hbm>>) dst(%arg8 : memref<128x128xf32, #tpu.memory_space<vmem>>)
      %mul3A_71 = arith.constant 128 : i32
      %mul3A_72 = arith.muli %scan3A_62, %mul3A_71 : i32
      %add3A_73 = arith.addi %mul3A_45, %mul3A_72 : i32
      "tpu.region"() ({
        %run_scoped3A = tpu.sem_alloc : memref<!tpu.dma_semaphore, #tpu.memory_space<semaphore_mem>>
        %dma_start3A_75 = tpu.memref_slice %arg3[%add3A_73] : memref<321536xi32, #tpu.memory_space<hbm>> -> memref<128xi32, #tpu.memory_space<hbm>>
        %dma_start3A_76 = tpu.memref_slice %arg3[%add3A_73] : memref<321536xi32, #tpu.memory_space<hbm>> -> memref<128xi32, #tpu.memory_space<hbm>>
        tpu.enqueue_dma source(%dma_start3A_76 : memref<128xi32, #tpu.memory_space<hbm>>) target(%arg7 : memref<128xi32, #tpu.memory_space<vmem>>) target_semaphore(%run_scoped3A : memref<!tpu.dma_semaphore, #tpu.memory_space<semaphore_mem>>)
        %dma_wait3A_77 = tpu.memref_slice %arg3[%add3A_73] : memref<321536xi32, #tpu.memory_space<hbm>> -> memref<128xi32, #tpu.memory_space<hbm>>
        %dma_wait3A_78 = tpu.memref_slice %arg3[%add3A_73] : memref<321536xi32, #tpu.memory_space<hbm>> -> memref<128xi32, #tpu.memory_space<hbm>>
        tpu.wait_dma2 semaphore(%run_scoped3A : memref<!tpu.dma_semaphore, #tpu.memory_space<semaphore_mem>>) src(%dma_wait3A_78 : memref<128xi32, #tpu.memory_space<hbm>>) dst(%arg7 : memref<128xi32, #tpu.memory_space<vmem>>)
        tpu.yield
      }) : () -> ()
      "tpu.region"() ({
        %run_scoped3A = tpu.sem_alloc : memref<!tpu.dma_semaphore, #tpu.memory_space<semaphore_mem>>
        %dma_start3A_75 = arith.constant 0 : i32
        %dma_start3A_76 = arith.constant 0 : i32
        %dma_start3A_77 = tpu.memref_slice %arg10[%dma_start3A_75, %dma_start3A_76] : memref<10240x128xf32, #tpu.memory_space<vmem_shared>> -> memref<10240x128xf32, #tpu.memory_space<vmem_shared>>
        tpu.enqueue_indirect_dma source(%arg8 : memref<128x128xf32, #tpu.memory_space<vmem>>) target(%dma_start3A_77 : memref<10240x128xf32, #tpu.memory_space<vmem_shared>>) offsets(%arg7 : memref<128xi32, #tpu.memory_space<vmem>>) semaphore(%run_scoped3A : memref<!tpu.dma_semaphore, #tpu.memory_space<semaphore_mem>>) {add = true}
        %dma_wait3A_78 = arith.constant 0 : i32
        %dma_wait3A_79 = arith.constant 0 : i32
        %dma_wait3A_80 = tpu.memref_slice %arg10[%dma_wait3A_78, %dma_wait3A_79] : memref<10240x128xf32, #tpu.memory_space<vmem_shared>> -> memref<10240x128xf32, #tpu.memory_space<vmem_shared>>
        tpu.wait_indirect_dma semaphore(%run_scoped3A : memref<!tpu.dma_semaphore, #tpu.memory_space<semaphore_mem>>) src(%arg8 : memref<128x128xf32, #tpu.memory_space<vmem>>) dst(%dma_wait3A_80 : memref<10240x128xf32, #tpu.memory_space<vmem_shared>>)
        tpu.yield
      }) : () -> ()
      %scan3A_74 = arith.constant 0 : i32
      scf.yield %scan3A_74 : i32
    }
    %scan3A_52 = arith.constant 157 : i32
    %barrier3A_53 = arith.constant 0 : index
    tpu.barrier barrier_id(%barrier3A_53)
    %mul3A_54 = arith.constant 640 : i32
    %mul3A_55 = arith.muli %arg1, %mul3A_54 : i32
    %mul3A_56 = arith.constant 10240 : i32
    %mul3A_57 = arith.muli %add3A_30, %mul3A_56 : i32
    %mul3A_58 = arith.constant 640 : i32
    %mul3A_59 = arith.muli %arg1, %mul3A_58 : i32
    %add3A_60 = arith.addi %mul3A_57, %mul3A_59 : i32
    "tpu.region"() ({
      %run_scoped3A = tpu.sem_alloc : memref<!tpu.dma_semaphore, #tpu.memory_space<semaphore_mem>>
      %dma_start3A = arith.constant 0 : i32
      %dma_start3A_62 = tpu.memref_slice %arg5[%add3A_60, %dma_start3A] : memref<40960x128xf32, #tpu.memory_space<hbm>> -> memref<640x128xf32, #tpu.memory_space<hbm>>
      %dma_start3A_63 = arith.constant 0 : i32
      %dma_start3A_64 = tpu.memref_slice %arg10[%mul3A_55, %dma_start3A_63] : memref<10240x128xf32, #tpu.memory_space<vmem_shared>> -> memref<640x128xf32, #tpu.memory_space<vmem_shared>>
      tpu.enqueue_dma source(%dma_start3A_64 : memref<640x128xf32, #tpu.memory_space<vmem_shared>>) target(%dma_start3A_62 : memref<640x128xf32, #tpu.memory_space<hbm>>) target_semaphore(%run_scoped3A : memref<!tpu.dma_semaphore, #tpu.memory_space<semaphore_mem>>)
      %dma_wait3A = arith.constant 0 : i32
      %dma_wait3A_65 = tpu.memref_slice %arg5[%add3A_60, %dma_wait3A] : memref<40960x128xf32, #tpu.memory_space<hbm>> -> memref<640x128xf32, #tpu.memory_space<hbm>>
      %dma_wait3A_66 = arith.constant 0 : i32
      %dma_wait3A_67 = tpu.memref_slice %arg10[%mul3A_55, %dma_wait3A_66] : memref<10240x128xf32, #tpu.memory_space<vmem_shared>> -> memref<640x128xf32, #tpu.memory_space<vmem_shared>>
      tpu.wait_dma2 semaphore(%run_scoped3A : memref<!tpu.dma_semaphore, #tpu.memory_space<semaphore_mem>>) src(%dma_wait3A_67 : memref<640x128xf32, #tpu.memory_space<vmem_shared>>) dst(%dma_wait3A_65 : memref<640x128xf32, #tpu.memory_space<hbm>>)
      tpu.yield
    }) : () -> ()
    %barrier3A_61 = arith.constant 0 : index
    tpu.barrier barrier_id(%barrier3A_61)
    return
  }
}

#map = affine_map<(d0, d1) -> (0)>
#map1 = affine_map<(d0, d1) -> (0, 0)>
module attributes {stable_mosaic.version = 14 : i64} {
  func.func @gcn_degree_sc(%arg0: i32, %arg1: i32, %arg2: memref<327680xi32, #tpu.memory_space<hbm>>, %arg3: memref<128x128xf32, #tpu.memory_space<hbm>>, %arg4: memref<160x128xf32, #tpu.memory_space<hbm>>, %arg5: memref<20480x128xf32, #tpu.memory_space<hbm>>, %arg6: memref<128x128xf32, #tpu.memory_space<vmem>>, %arg7: memref<128xi32, #tpu.memory_space<vmem>>, %arg8: memref<10240x128xf32, #tpu.memory_space<vmem_shared>>) attributes {dimension_semantics = [#tpu.dimension_semantics<core_parallel>, #tpu.dimension_semantics<subcore_parallel>], iteration_bounds = array<i64: 2, 16>, scalar_prefetch = 0 : i64, scratch_operands = 3 : i64, tpu.core_type = #tpu.core_type<sc_vector_subcore>, window_params = [{transform_indices = #map}, {transform_indices = #map1}, {transform_indices = #map1}, {transform_indices = #map1}]} {
    "tpu.region"() ({
      %run_scoped3A = tpu.sem_alloc : memref<!tpu.dma_semaphore, #tpu.memory_space<semaphore_mem>>
      tpu.enqueue_dma source(%arg3 : memref<128x128xf32, #tpu.memory_space<hbm>>) target(%arg6 : memref<128x128xf32, #tpu.memory_space<vmem>>) target_semaphore(%run_scoped3A : memref<!tpu.dma_semaphore, #tpu.memory_space<semaphore_mem>>)
      tpu.wait_dma2 semaphore(%run_scoped3A : memref<!tpu.dma_semaphore, #tpu.memory_space<semaphore_mem>>) src(%arg3 : memref<128x128xf32, #tpu.memory_space<hbm>>) dst(%arg6 : memref<128x128xf32, #tpu.memory_space<vmem>>)
      tpu.yield
    }) : () -> ()
    %mul3A = arith.constant 640 : i32
    %mul3A_0 = arith.muli %arg1, %mul3A : i32
    %add3A = arith.constant 0 : i32
    %add3A_1 = arith.addi %mul3A_0, %add3A : i32
    "tpu.region"() ({
      %run_scoped3A = tpu.sem_alloc : memref<!tpu.dma_semaphore, #tpu.memory_space<semaphore_mem>>
      %dma_start3A = arith.constant 0 : i32
      %dma_start3A_33 = tpu.memref_slice %arg8[%add3A_1, %dma_start3A] : memref<10240x128xf32, #tpu.memory_space<vmem_shared>> -> memref<160x128xf32, #tpu.memory_space<vmem_shared>>
      tpu.enqueue_dma source(%arg4 : memref<160x128xf32, #tpu.memory_space<hbm>>) target(%dma_start3A_33 : memref<160x128xf32, #tpu.memory_space<vmem_shared>>) target_semaphore(%run_scoped3A : memref<!tpu.dma_semaphore, #tpu.memory_space<semaphore_mem>>)
      %dma_wait3A = arith.constant 0 : i32
      %dma_wait3A_34 = tpu.memref_slice %arg8[%add3A_1, %dma_wait3A] : memref<10240x128xf32, #tpu.memory_space<vmem_shared>> -> memref<160x128xf32, #tpu.memory_space<vmem_shared>>
      tpu.wait_dma2 semaphore(%run_scoped3A : memref<!tpu.dma_semaphore, #tpu.memory_space<semaphore_mem>>) src(%arg4 : memref<160x128xf32, #tpu.memory_space<hbm>>) dst(%dma_wait3A_34 : memref<160x128xf32, #tpu.memory_space<vmem_shared>>)
      tpu.yield
    }) : () -> ()
    %mul3A_2 = arith.constant 640 : i32
    %mul3A_3 = arith.muli %arg1, %mul3A_2 : i32
    %add3A_4 = arith.constant 160 : i32
    %add3A_5 = arith.addi %mul3A_3, %add3A_4 : i32
    "tpu.region"() ({
      %run_scoped3A = tpu.sem_alloc : memref<!tpu.dma_semaphore, #tpu.memory_space<semaphore_mem>>
      %dma_start3A = arith.constant 0 : i32
      %dma_start3A_33 = tpu.memref_slice %arg8[%add3A_5, %dma_start3A] : memref<10240x128xf32, #tpu.memory_space<vmem_shared>> -> memref<160x128xf32, #tpu.memory_space<vmem_shared>>
      tpu.enqueue_dma source(%arg4 : memref<160x128xf32, #tpu.memory_space<hbm>>) target(%dma_start3A_33 : memref<160x128xf32, #tpu.memory_space<vmem_shared>>) target_semaphore(%run_scoped3A : memref<!tpu.dma_semaphore, #tpu.memory_space<semaphore_mem>>)
      %dma_wait3A = arith.constant 0 : i32
      %dma_wait3A_34 = tpu.memref_slice %arg8[%add3A_5, %dma_wait3A] : memref<10240x128xf32, #tpu.memory_space<vmem_shared>> -> memref<160x128xf32, #tpu.memory_space<vmem_shared>>
      tpu.wait_dma2 semaphore(%run_scoped3A : memref<!tpu.dma_semaphore, #tpu.memory_space<semaphore_mem>>) src(%arg4 : memref<160x128xf32, #tpu.memory_space<hbm>>) dst(%dma_wait3A_34 : memref<160x128xf32, #tpu.memory_space<vmem_shared>>)
      tpu.yield
    }) : () -> ()
    %mul3A_6 = arith.constant 640 : i32
    %mul3A_7 = arith.muli %arg1, %mul3A_6 : i32
    %add3A_8 = arith.constant 320 : i32
    %add3A_9 = arith.addi %mul3A_7, %add3A_8 : i32
    "tpu.region"() ({
      %run_scoped3A = tpu.sem_alloc : memref<!tpu.dma_semaphore, #tpu.memory_space<semaphore_mem>>
      %dma_start3A = arith.constant 0 : i32
      %dma_start3A_33 = tpu.memref_slice %arg8[%add3A_9, %dma_start3A] : memref<10240x128xf32, #tpu.memory_space<vmem_shared>> -> memref<160x128xf32, #tpu.memory_space<vmem_shared>>
      tpu.enqueue_dma source(%arg4 : memref<160x128xf32, #tpu.memory_space<hbm>>) target(%dma_start3A_33 : memref<160x128xf32, #tpu.memory_space<vmem_shared>>) target_semaphore(%run_scoped3A : memref<!tpu.dma_semaphore, #tpu.memory_space<semaphore_mem>>)
      %dma_wait3A = arith.constant 0 : i32
      %dma_wait3A_34 = tpu.memref_slice %arg8[%add3A_9, %dma_wait3A] : memref<10240x128xf32, #tpu.memory_space<vmem_shared>> -> memref<160x128xf32, #tpu.memory_space<vmem_shared>>
      tpu.wait_dma2 semaphore(%run_scoped3A : memref<!tpu.dma_semaphore, #tpu.memory_space<semaphore_mem>>) src(%arg4 : memref<160x128xf32, #tpu.memory_space<hbm>>) dst(%dma_wait3A_34 : memref<160x128xf32, #tpu.memory_space<vmem_shared>>)
      tpu.yield
    }) : () -> ()
    %mul3A_10 = arith.constant 640 : i32
    %mul3A_11 = arith.muli %arg1, %mul3A_10 : i32
    %add3A_12 = arith.constant 480 : i32
    %add3A_13 = arith.addi %mul3A_11, %add3A_12 : i32
    "tpu.region"() ({
      %run_scoped3A = tpu.sem_alloc : memref<!tpu.dma_semaphore, #tpu.memory_space<semaphore_mem>>
      %dma_start3A = arith.constant 0 : i32
      %dma_start3A_33 = tpu.memref_slice %arg8[%add3A_13, %dma_start3A] : memref<10240x128xf32, #tpu.memory_space<vmem_shared>> -> memref<160x128xf32, #tpu.memory_space<vmem_shared>>
      tpu.enqueue_dma source(%arg4 : memref<160x128xf32, #tpu.memory_space<hbm>>) target(%dma_start3A_33 : memref<160x128xf32, #tpu.memory_space<vmem_shared>>) target_semaphore(%run_scoped3A : memref<!tpu.dma_semaphore, #tpu.memory_space<semaphore_mem>>)
      %dma_wait3A = arith.constant 0 : i32
      %dma_wait3A_34 = tpu.memref_slice %arg8[%add3A_13, %dma_wait3A] : memref<10240x128xf32, #tpu.memory_space<vmem_shared>> -> memref<160x128xf32, #tpu.memory_space<vmem_shared>>
      tpu.wait_dma2 semaphore(%run_scoped3A : memref<!tpu.dma_semaphore, #tpu.memory_space<semaphore_mem>>) src(%arg4 : memref<160x128xf32, #tpu.memory_space<hbm>>) dst(%dma_wait3A_34 : memref<160x128xf32, #tpu.memory_space<vmem_shared>>)
      tpu.yield
    }) : () -> ()
    %barrier3A = arith.constant 0 : index
    tpu.barrier barrier_id(%barrier3A)
    %mul3A_14 = arith.constant 16 : i32
    %mul3A_15 = arith.muli %arg0, %mul3A_14 : i32
    %add3A_16 = arith.addi %mul3A_15, %arg1 : i32
    %mul3A_17 = arith.constant 10240 : i32
    %mul3A_18 = arith.muli %add3A_16, %mul3A_17 : i32
    %scan3A = arith.constant 0 : i32
    %scan3A_19 = arith.constant 0 : i32
    %scan3A_20 = arith.constant 80 : i32
    %scan3A_21 = arith.addi %scan3A_19, %scan3A_20 : i32
    %scan3A_22 = arith.constant 1 : i32
    %scan3A_23 = scf.for %scan3A_33 = %scan3A_19 to %scan3A_21 step %scan3A_22 iter_args(%scan3A_34 = %scan3A) -> (i32)  : i32 {
      %mul3A_35 = arith.constant 128 : i32
      %mul3A_36 = arith.muli %scan3A_33, %mul3A_35 : i32
      %add3A_37 = arith.addi %mul3A_18, %mul3A_36 : i32
      "tpu.region"() ({
        %run_scoped3A = tpu.sem_alloc : memref<!tpu.dma_semaphore, #tpu.memory_space<semaphore_mem>>
        %dma_start3A = tpu.memref_slice %arg2[%add3A_37] : memref<327680xi32, #tpu.memory_space<hbm>> -> memref<128xi32, #tpu.memory_space<hbm>>
        %dma_start3A_39 = tpu.memref_slice %arg2[%add3A_37] : memref<327680xi32, #tpu.memory_space<hbm>> -> memref<128xi32, #tpu.memory_space<hbm>>
        tpu.enqueue_dma source(%dma_start3A_39 : memref<128xi32, #tpu.memory_space<hbm>>) target(%arg7 : memref<128xi32, #tpu.memory_space<vmem>>) target_semaphore(%run_scoped3A : memref<!tpu.dma_semaphore, #tpu.memory_space<semaphore_mem>>)
        %dma_wait3A = tpu.memref_slice %arg2[%add3A_37] : memref<327680xi32, #tpu.memory_space<hbm>> -> memref<128xi32, #tpu.memory_space<hbm>>
        %dma_wait3A_40 = tpu.memref_slice %arg2[%add3A_37] : memref<327680xi32, #tpu.memory_space<hbm>> -> memref<128xi32, #tpu.memory_space<hbm>>
        tpu.wait_dma2 semaphore(%run_scoped3A : memref<!tpu.dma_semaphore, #tpu.memory_space<semaphore_mem>>) src(%dma_wait3A_40 : memref<128xi32, #tpu.memory_space<hbm>>) dst(%arg7 : memref<128xi32, #tpu.memory_space<vmem>>)
        tpu.yield
      }) : () -> ()
      "tpu.region"() ({
        %run_scoped3A = tpu.sem_alloc : memref<!tpu.dma_semaphore, #tpu.memory_space<semaphore_mem>>
        %dma_start3A = arith.constant 0 : i32
        %dma_start3A_39 = arith.constant 0 : i32
        %dma_start3A_40 = tpu.memref_slice %arg8[%dma_start3A, %dma_start3A_39] : memref<10240x128xf32, #tpu.memory_space<vmem_shared>> -> memref<10240x128xf32, #tpu.memory_space<vmem_shared>>
        tpu.enqueue_indirect_dma source(%arg6 : memref<128x128xf32, #tpu.memory_space<vmem>>) target(%dma_start3A_40 : memref<10240x128xf32, #tpu.memory_space<vmem_shared>>) offsets(%arg7 : memref<128xi32, #tpu.memory_space<vmem>>) semaphore(%run_scoped3A : memref<!tpu.dma_semaphore, #tpu.memory_space<semaphore_mem>>) {add = true}
        %dma_wait3A = arith.constant 0 : i32
        %dma_wait3A_41 = arith.constant 0 : i32
        %dma_wait3A_42 = tpu.memref_slice %arg8[%dma_wait3A, %dma_wait3A_41] : memref<10240x128xf32, #tpu.memory_space<vmem_shared>> -> memref<10240x128xf32, #tpu.memory_space<vmem_shared>>
        tpu.wait_indirect_dma semaphore(%run_scoped3A : memref<!tpu.dma_semaphore, #tpu.memory_space<semaphore_mem>>) src(%arg6 : memref<128x128xf32, #tpu.memory_space<vmem>>) dst(%dma_wait3A_42 : memref<10240x128xf32, #tpu.memory_space<vmem_shared>>)
        tpu.yield
      }) : () -> ()
      %scan3A_38 = arith.constant 0 : i32
      scf.yield %scan3A_38 : i32
    }
    %scan3A_24 = arith.constant 80 : i32
    %barrier3A_25 = arith.constant 0 : index
    tpu.barrier barrier_id(%barrier3A_25)
    %mul3A_26 = arith.constant 640 : i32
    %mul3A_27 = arith.muli %arg1, %mul3A_26 : i32
    %mul3A_28 = arith.constant 10240 : i32
    %mul3A_29 = arith.muli %arg0, %mul3A_28 : i32
    %mul3A_30 = arith.constant 640 : i32
    %mul3A_31 = arith.muli %arg1, %mul3A_30 : i32
    %add3A_32 = arith.addi %mul3A_29, %mul3A_31 : i32
    "tpu.region"() ({
      %run_scoped3A = tpu.sem_alloc : memref<!tpu.dma_semaphore, #tpu.memory_space<semaphore_mem>>
      %dma_start3A = arith.constant 0 : i32
      %dma_start3A_33 = tpu.memref_slice %arg5[%add3A_32, %dma_start3A] : memref<20480x128xf32, #tpu.memory_space<hbm>> -> memref<640x128xf32, #tpu.memory_space<hbm>>
      %dma_start3A_34 = arith.constant 0 : i32
      %dma_start3A_35 = tpu.memref_slice %arg8[%mul3A_27, %dma_start3A_34] : memref<10240x128xf32, #tpu.memory_space<vmem_shared>> -> memref<640x128xf32, #tpu.memory_space<vmem_shared>>
      tpu.enqueue_dma source(%dma_start3A_35 : memref<640x128xf32, #tpu.memory_space<vmem_shared>>) target(%dma_start3A_33 : memref<640x128xf32, #tpu.memory_space<hbm>>) target_semaphore(%run_scoped3A : memref<!tpu.dma_semaphore, #tpu.memory_space<semaphore_mem>>)
      %dma_wait3A = arith.constant 0 : i32
      %dma_wait3A_36 = tpu.memref_slice %arg5[%add3A_32, %dma_wait3A] : memref<20480x128xf32, #tpu.memory_space<hbm>> -> memref<640x128xf32, #tpu.memory_space<hbm>>
      %dma_wait3A_37 = arith.constant 0 : i32
      %dma_wait3A_38 = tpu.memref_slice %arg8[%mul3A_27, %dma_wait3A_37] : memref<10240x128xf32, #tpu.memory_space<vmem_shared>> -> memref<640x128xf32, #tpu.memory_space<vmem_shared>>
      tpu.wait_dma2 semaphore(%run_scoped3A : memref<!tpu.dma_semaphore, #tpu.memory_space<semaphore_mem>>) src(%dma_wait3A_38 : memref<640x128xf32, #tpu.memory_space<vmem_shared>>) dst(%dma_wait3A_36 : memref<640x128xf32, #tpu.memory_space<hbm>>)
      tpu.yield
    }) : () -> ()
    return
  }
}

module attributes {stable_mosaic.version = 14 : i64} {
  func.func @gcn_xw_scale_tc(%arg0: i32, %arg1: memref<640x128xf32, #tpu.memory_space<vmem>>, %arg2: memref<128x128xf32, #tpu.memory_space<vmem>>, %arg3: memref<640x128xf32, #tpu.memory_space<vmem>>, %arg4: memref<640x128xf32, #tpu.memory_space<vmem>>, %arg5: memref<640x128xf32, #tpu.memory_space<vmem>>) attributes {dimension_semantics = [#tpu.dimension_semantics<arbitrary>], iteration_bounds = array<i64: 64>, scalar_prefetch = 0 : i64, scratch_operands = 0 : i64, tpu.core_type = #tpu.core_type<tc>, window_params = [{transform_indices = @transform_0, window_bounds = array<i64: 640, 128>}, {pipeline_mode = #tpu.pipeline_mode<synchronous>, transform_indices = @transform_1, window_bounds = array<i64: 128, 128>}, {transform_indices = @transform_2, window_bounds = array<i64: 640, 128>}, {transform_indices = @transform_3, window_bounds = array<i64: 640, 128>}, {transform_indices = @transform_4, window_bounds = array<i64: 640, 128>}]} {
    %get3A = arith.constant 0 : index
    %get3A_0 = arith.constant 0 : index
    %get3A_1 = vector.load %arg1[%get3A, %get3A_0] : memref<640x128xf32, #tpu.memory_space<vmem>>, vector<640x128xf32>
    %get3A_2 = arith.constant 0 : index
    %get3A_3 = arith.constant 0 : index
    %get3A_4 = vector.load %arg2[%get3A_2, %get3A_3] : memref<128x128xf32, #tpu.memory_space<vmem>>, vector<128x128xf32>
    %dot_general3A = arith.constant dense<0.000000e+00> : vector<640x128xf32>
    %dot_general3A_5 = tpu.matmul %get3A_1, %get3A_4, %dot_general3A {dimension_numbers = #tpu.dot_dimension_numbers<[1], [0], [0], [1], [0, 0, 1, 1], [], []>, transpose_lhs_hint = false} : vector<640x128xf32>, vector<128x128xf32>, vector<640x128xf32> -> vector<640x128xf32>
    %get3A_6 = arith.constant 0 : index
    %get3A_7 = arith.constant 0 : index
    %get3A_8 = vector.load %arg3[%get3A_6, %get3A_7] : memref<640x128xf32, #tpu.memory_space<vmem>>, vector<640x1xf32>
    %get3A_9 = arith.constant 0 : index
    %get3A_10 = arith.constant 0 : index
    %get3A_11 = vector.load %arg4[%get3A_9, %get3A_10] : memref<640x128xf32, #tpu.memory_space<vmem>>, vector<640x1xf32>
    %add3A = arith.addf %get3A_8, %get3A_11 : vector<640x1xf32>
    %add3A_12 = arith.constant 1.000000e+00 : f32
    %add3A_13 = vector.broadcast %add3A_12 : f32 to vector<640x1xf32>
    %add3A_14 = arith.addf %add3A, %add3A_13 : vector<640x1xf32>
    %rsqrt3A = math.rsqrt %add3A_14 : vector<640x1xf32>
    %mul3A = vector.broadcast %rsqrt3A : vector<640x1xf32> to vector<640x128xf32>
    %mul3A_15 = arith.mulf %dot_general3A_5, %mul3A : vector<640x128xf32>
    %swap3A = arith.constant 0 : index
    %swap3A_16 = arith.constant 0 : index
    %swap3A_17 = vector.load %arg5[%swap3A, %swap3A_16] : memref<640x128xf32, #tpu.memory_space<vmem>>, vector<640x128xf32>
    tpu.vector_store %arg5[%swap3A, %swap3A_16], %mul3A_15 {strides = array<i32>} : memref<640x128xf32, #tpu.memory_space<vmem>>, vector<640x128xf32>,
    return
  }
  func.func @transform_0(%arg0: i32) -> (i32, i32) {
    %c0_i32 = arith.constant 0 : i32
    %c0_i32_0 = arith.constant 0 : i32
    return %arg0, %c0_i32 : i32, i32
  }
  func.func @transform_1(%arg0: i32) -> (i32, i32) {
    %c0_i32 = arith.constant 0 : i32
    %c0_i32_0 = arith.constant 0 : i32
    %c0_i32_1 = arith.constant 0 : i32
    return %c0_i32, %c0_i32_0 : i32, i32
  }
  func.func @transform_2(%arg0: i32) -> (i32, i32) {
    %jit3A = arith.constant 16 : i32
    %eq3A = arith.constant 0 : i32
    %eq3A_0 = arith.cmpi eq, %jit3A, %eq3A : i32
    %jit3A_1 = arith.constant 1 : i32
    %select_n3A = arith.select %eq3A_0, %jit3A_1, %jit3A : i32
    %rem3A = arith.remsi %arg0, %select_n3A : i32
    %ne3A = arith.constant 0 : i32
    %ne3A_2 = arith.cmpi ne, %rem3A, %ne3A : i32
    %lt3A = arith.constant 0 : i32
    %lt3A_3 = arith.cmpi slt, %rem3A, %lt3A : i32
    %lt3A_4 = arith.constant 0 : i32
    %lt3A_5 = arith.cmpi slt, %select_n3A, %lt3A_4 : i32
    %ne3A_6 = arith.xori %lt3A_3, %lt3A_5 : i1
    %and3A = arith.andi %ne3A_6, %ne3A_2 : i1
    %add3A = arith.addi %rem3A, %select_n3A : i32
    %select_n3A_7 = arith.select %and3A, %add3A, %rem3A : i32
    %c0_i32 = arith.constant 0 : i32
    %c0_i32_8 = arith.constant 0 : i32
    return %select_n3A_7, %c0_i32 : i32, i32
  }
  func.func @transform_3(%arg0: i32) -> (i32, i32) {
    %jit3A = arith.constant 16 : i32
    %eq3A = arith.constant 0 : i32
    %eq3A_0 = arith.cmpi eq, %jit3A, %eq3A : i32
    %jit3A_1 = arith.constant 1 : i32
    %select_n3A = arith.select %eq3A_0, %jit3A_1, %jit3A : i32
    %rem3A = arith.remsi %arg0, %select_n3A : i32
    %ne3A = arith.constant 0 : i32
    %ne3A_2 = arith.cmpi ne, %rem3A, %ne3A : i32
    %lt3A = arith.constant 0 : i32
    %lt3A_3 = arith.cmpi slt, %rem3A, %lt3A : i32
    %lt3A_4 = arith.constant 0 : i32
    %lt3A_5 = arith.cmpi slt, %select_n3A, %lt3A_4 : i32
    %ne3A_6 = arith.xori %lt3A_3, %lt3A_5 : i1
    %and3A = arith.andi %ne3A_6, %ne3A_2 : i1
    %add3A = arith.addi %rem3A, %select_n3A : i32
    %select_n3A_7 = arith.select %and3A, %add3A, %rem3A : i32
    %c0_i32 = arith.constant 0 : i32
    %c0_i32_8 = arith.constant 0 : i32
    return %select_n3A_7, %c0_i32 : i32, i32
  }
  func.func @transform_4(%arg0: i32) -> (i32, i32) {
    %c0_i32 = arith.constant 0 : i32
    %c0_i32_0 = arith.constant 0 : i32
    return %arg0, %c0_i32 : i32, i32
  }
}

module attributes {stable_mosaic.version = 14 : i64} {
  func.func @gcn_finalize_tc(%arg0: i32, %arg1: memref<640x128xf32, #tpu.memory_space<vmem>>, %arg2: memref<640x128xf32, #tpu.memory_space<vmem>>, %arg3: memref<640x128xf32, #tpu.memory_space<vmem>>, %arg4: memref<1x128xf32, #tpu.memory_space<vmem>>, %arg5: memref<640x128xf32, #tpu.memory_space<vmem>>) attributes {dimension_semantics = [#tpu.dimension_semantics<arbitrary>], iteration_bounds = array<i64: 64>, scalar_prefetch = 0 : i64, scratch_operands = 0 : i64, tpu.core_type = #tpu.core_type<tc>, window_params = [{transform_indices = @transform_0, window_bounds = array<i64: 640, 128>}, {transform_indices = @transform_1, window_bounds = array<i64: 640, 128>}, {transform_indices = @transform_2, window_bounds = array<i64: 640, 128>}, {pipeline_mode = #tpu.pipeline_mode<synchronous>, transform_indices = @transform_3, window_bounds = array<i64: 1, 128>}, {transform_indices = @transform_4, window_bounds = array<i64: 640, 128>}]} {
    %get3A = arith.constant 0 : index
    %get3A_0 = arith.constant 0 : index
    %get3A_1 = vector.load %arg1[%get3A, %get3A_0] : memref<640x128xf32, #tpu.memory_space<vmem>>, vector<640x128xf32>
    %get3A_2 = arith.constant 0 : index
    %get3A_3 = arith.constant 0 : index
    %get3A_4 = vector.load %arg2[%get3A_2, %get3A_3] : memref<640x128xf32, #tpu.memory_space<vmem>>, vector<640x1xf32>
    %get3A_5 = arith.constant 0 : index
    %get3A_6 = arith.constant 0 : index
    %get3A_7 = vector.load %arg3[%get3A_5, %get3A_6] : memref<640x128xf32, #tpu.memory_space<vmem>>, vector<640x1xf32>
    %add3A = arith.addf %get3A_4, %get3A_7 : vector<640x1xf32>
    %add3A_8 = arith.constant 1.000000e+00 : f32
    %add3A_9 = vector.broadcast %add3A_8 : f32 to vector<640x1xf32>
    %add3A_10 = arith.addf %add3A, %add3A_9 : vector<640x1xf32>
    %rsqrt3A = math.rsqrt %add3A_10 : vector<640x1xf32>
    %mul3A = vector.broadcast %rsqrt3A : vector<640x1xf32> to vector<640x128xf32>
    %mul3A_11 = arith.mulf %get3A_1, %mul3A : vector<640x128xf32>
    %get3A_12 = arith.constant 0 : index
    %get3A_13 = arith.constant 0 : index
    %get3A_14 = vector.load %arg4[%get3A_12, %get3A_13] : memref<1x128xf32, #tpu.memory_space<vmem>>, vector<1x128xf32>
    %add3A_15 = vector.broadcast %get3A_14 : vector<1x128xf32> to vector<640x128xf32>
    %add3A_16 = arith.addf %mul3A_11, %add3A_15 : vector<640x128xf32>
    %swap3A = arith.constant 0 : index
    %swap3A_17 = arith.constant 0 : index
    %swap3A_18 = vector.load %arg5[%swap3A, %swap3A_17] : memref<640x128xf32, #tpu.memory_space<vmem>>, vector<640x128xf32>
    tpu.vector_store %arg5[%swap3A, %swap3A_17], %add3A_16 {strides = array<i32>} : memref<640x128xf32, #tpu.memory_space<vmem>>, vector<640x128xf32>,
    return
  }
  func.func @transform_0(%arg0: i32) -> (i32, i32) {
    %c0_i32 = arith.constant 0 : i32
    %c0_i32_0 = arith.constant 0 : i32
    return %arg0, %c0_i32 : i32, i32
  }
  func.func @transform_1(%arg0: i32) -> (i32, i32) {
    %jit3A = arith.constant 16 : i32
    %eq3A = arith.constant 0 : i32
    %eq3A_0 = arith.cmpi eq, %jit3A, %eq3A : i32
    %jit3A_1 = arith.constant 1 : i32
    %select_n3A = arith.select %eq3A_0, %jit3A_1, %jit3A : i32
    %rem3A = arith.remsi %arg0, %select_n3A : i32
    %ne3A = arith.constant 0 : i32
    %ne3A_2 = arith.cmpi ne, %rem3A, %ne3A : i32
    %lt3A = arith.constant 0 : i32
    %lt3A_3 = arith.cmpi slt, %rem3A, %lt3A : i32
    %lt3A_4 = arith.constant 0 : i32
    %lt3A_5 = arith.cmpi slt, %select_n3A, %lt3A_4 : i32
    %ne3A_6 = arith.xori %lt3A_3, %lt3A_5 : i1
    %and3A = arith.andi %ne3A_6, %ne3A_2 : i1
    %add3A = arith.addi %rem3A, %select_n3A : i32
    %select_n3A_7 = arith.select %and3A, %add3A, %rem3A : i32
    %c0_i32 = arith.constant 0 : i32
    %c0_i32_8 = arith.constant 0 : i32
    return %select_n3A_7, %c0_i32 : i32, i32
  }
  func.func @transform_2(%arg0: i32) -> (i32, i32) {
    %jit3A = arith.constant 16 : i32
    %eq3A = arith.constant 0 : i32
    %eq3A_0 = arith.cmpi eq, %jit3A, %eq3A : i32
    %jit3A_1 = arith.constant 1 : i32
    %select_n3A = arith.select %eq3A_0, %jit3A_1, %jit3A : i32
    %rem3A = arith.remsi %arg0, %select_n3A : i32
    %ne3A = arith.constant 0 : i32
    %ne3A_2 = arith.cmpi ne, %rem3A, %ne3A : i32
    %lt3A = arith.constant 0 : i32
    %lt3A_3 = arith.cmpi slt, %rem3A, %lt3A : i32
    %lt3A_4 = arith.constant 0 : i32
    %lt3A_5 = arith.cmpi slt, %select_n3A, %lt3A_4 : i32
    %ne3A_6 = arith.xori %lt3A_3, %lt3A_5 : i1
    %and3A = arith.andi %ne3A_6, %ne3A_2 : i1
    %add3A = arith.addi %rem3A, %select_n3A : i32
    %select_n3A_7 = arith.select %and3A, %add3A, %rem3A : i32
    %c0_i32 = arith.constant 0 : i32
    %c0_i32_8 = arith.constant 0 : i32
    return %select_n3A_7, %c0_i32 : i32, i32
  }
  func.func @transform_3(%arg0: i32) -> (i32, i32) {
    %c0_i32 = arith.constant 0 : i32
    %c0_i32_0 = arith.constant 0 : i32
    %c0_i32_1 = arith.constant 0 : i32
    return %c0_i32, %c0_i32_0 : i32, i32
  }
  func.func @transform_4(%arg0: i32) -> (i32, i32) {
    %c0_i32 = arith.constant 0 : i32
    %c0_i32_0 = arith.constant 0 : i32
    return %arg0, %c0_i32 : i32, i32
  }
}

</mosaic_0001>

<sc_bundles>
// kernel: gcn_degree_sc.3.cloned.1.call-start
scs
__scs_entry_jumppad:
0x0: {  	(pc) =	sbr.rel $0x88, $3  }
0x1: {  	(tag) =	ssettag $0x0;
	lr =	simm.s32 $0x1  }
0x2: {  	[smem:$0x3F9D] =	sst lr;
	_ =	strace $0xD0000000  }
0x3: {  	_ = 	snop  }
0x4: {  	_ = 	snop  }
0x5: {  	_ = 	snop  }
0x6: {  	_ = 	snop  }
0x7: {  	_ = 	snop  }
__scs_overlays_trampoline_lowered:
0x8: {  	[smem:$0x3FAC] =	sst s0  }
0x9: {  	[smem:$0x3FAD] =	sst s1  }
0xa: {  	[smem:$0x3FAE] =	sst s2  }
0xb: {  	[smem:$0x3FAF] =	sst s3  }
0xc: {  	[smem:$0x3FB0] =	sst s4  }
0xd: {  	[smem:$0x3FB1] =	sst s5  }
0xe: {  	[smem:$0x3FB2] =	sst s6  }
0xf: {  	[smem:$0x3FB3] =	sst s7  }
0x10: {  	[smem:$0x3FB4] =	sst s8  }
0x11: {  	[smem:$0x3FB5] =	sst s9;
	s0 =	simm.s32 @!p0 $0x0  }
0x12: {  	s1 =	sld [smem:$0x3F9B];
	s0 =	simm.s32 @p0 $0x1  }
0x13: {  	[smem:$0x3FB6] =	sst s0;
	s0 =	simm.s32 @!p1 $0x0  }
0x14: {  	s2 =	sld [smem:$0x3F9A];
	s0 =	simm.s32 @p1 $0x1  }
0x15: {  	[smem:$0x3FB7] =	sst s0;
	s0 =	simm.s32 @!p2 $0x0  }
0x16: {  	s3 =	sld [smem:$0x3FDB];
	s0 =	simm.s32 @p2 $0x1  }
0x17: {  	s4 =	simm.s32 $0x1BF5;
	[smem:$0x3FB9] =	sst s0  }
0x18: {  	s0 =	sld [smem:$0x3F9C];
	_ =	swait.ge [sflag:s4], $0x0  }
0x19: {  	s7 =	sld [smem:$0x3F9D]  }
0x1a: {  	s8 =	sadd.s32 $0xFFFFE003, lr  }
0x1b: {  	s9 =	sadd.s32 $0xFFFFFEF7, lr;
	s5 =	simm.s32 $0xFFFFFFFF;
	p2 =	slt.u32 s8, $0xFFFFF086  }
0x1c: {  	p1 =	slt.u32 s9, $0xF7A;
	s5 =	simm.s32 @!p2 $0x0  }
0x1d: {  	s5 =	simm.s32 @p1 $0x1;
	p0 =	seq.s32 s7, s2  }
0x1e: {  	s7 =	smul.u32 @!p0 $0xF7A, s2;
	p2 =	seq.s32 @!p0 s5, $0x0  }
0x1f: {  	s9 =	smul.u32 $0xF7A, s1;
	s8 =	simm.s32 @!p0 $0x1BF5;
	p2 =	por !p2, p0  }
0x20: {  	[sflag:s8] =	ssyncset.s32 @!p0 $0xFFFFF086;
	s6 =	sadd.s32 @!p0 s3, s7;
	s7 =	simm.s32 @!p0 $0x108  }
0x21: {  	s3 =	sadd.s32 s3, s9;
	s6 =	sadd.s32 @!p0 $0x88, s6;
	s7 =	simm.s32 @p2 $0x1082  }
0x22: {  	[simem:s7], [sflag:s8] =	dma.local @!p0 [hbm:s6], $0xF7A  }
0x23: {  	s9 =	sor.u32 $0xD0000000, s2;
	s6 =	simm.s32 $0x108;
	_ =	swait.ge @!p0 [sflag:s8], $0x0  }
0x24: {  	s3 =	sadd.s32 $0x88, s3;
	s6 =	simm.s32 @!p1 $0x1082;
	[sflag:s4] =	ssyncset.s32 $0xFFFFF086  }
0x25: {  	[simem:s6], [sflag:s4] =	dma.local [hbm:s3], $0xF7A  }
0x26: {  	[smem:$0x3F9D] =	sst s1;
	(tag) =	ssettag s2;
	_ =	strace s9  }
0x27: {  	s1 =	sld [smem:$0x3FAD]  }
0x28: {  	s2 =	sld [smem:$0x3FAE]  }
0x29: {  	s4 =	sld [smem:$0x3FB0]  }
0x2a: {  	p0 =	seq.s32 s5, $0x0;
	s5 =	sld [smem:$0x3FB1]  }
0x2b: {  	s6 =	sld [smem:$0x3FB2]  }
0x2c: {  	s7 =	sld [smem:$0x3FB3]  }
0x2d: {  	s3 =	simm.s32 $0x108;
	s8 =	sld [smem:$0x3FB4]  }
0x2e: {  	s3 =	simm.s32 @!p0 $0x1082;
	s9 =	sld [smem:$0x3FB5]  }
0x2f: {  	lr =	sadd.s32 s0, s3;
	s0 =	sld [smem:$0x3FAC]  }
0x30: {  	s3 =	sld [smem:$0x3FAF]  }
0x31: {  	[smem:$0x3FB8] =	sst s10  }
0x32: {  	s10 =	sld [smem:$0x3FB6];
	_ =	sdelay $0x3  }
0x33: {  	p0 =	seq.s32 s10, $0x1;
	s10 =	sld [smem:$0x3FB8];
	_ =	sdelay $0x3  }
0x34: {  	[smem:$0x3FB8] =	sst s10  }
0x35: {  	s10 =	sld [smem:$0x3FB7];
	_ =	sdelay $0x3  }
0x36: {  	p1 =	seq.s32 s10, $0x1;
	s10 =	sld [smem:$0x3FB8];
	_ =	sdelay $0x3  }
0x37: {  	[smem:$0x3FB8] =	sst s10  }
0x38: {  	s10 =	sld [smem:$0x3FB9]  }
0x39: {  	_ = 	snop;
	(pc) =	sbr.ind lr, $3  }
0x3a: {  	_ = 	snop  }
0x3b: {  	_ = 	snop  }
0x3c: {  	p2 =	seq.s32 s10, $0x1;
	s10 =	sld [smem:$0x3FB8]  }
0x3d: {  	_ =	shalt  }
0x3e: {  	_ =	shalt  }
0x3f: {  	_ =	shalt  }
0x40: {  	_ =	shalt  }
0x41: {  	_ =	shalt  }
0x42: {  	_ =	shalt  }
0x43: {  	_ =	shalt  }
0x44: {  	_ =	shalt  }
0x45: {  	_ =	shalt  }
0x46: {  	_ =	shalt  }
0x47: {  	_ =	shalt  }
0x48: {  	_ =	shalt  }
0x49: {  	_ =	shalt  }
0x4a: {  	_ =	shalt  }
0x4b: {  	_ =	shalt  }
0x4c: {  	_ =	shalt  }
0x4d: {  	_ =	shalt  }
0x4e: {  	_ =	shalt  }
0x4f: {  	_ =	shalt  }
0x50: {  	_ =	shalt  }
0x51: {  	_ =	shalt  }
0x52: {  	_ =	shalt  }
0x53: {  	_ =	shalt  }
0x54: {  	_ =	shalt  }
0x55: {  	_ =	shalt  }
0x56: {  	_ =	shalt  }
0x57: {  	_ =	shalt  }
0x58: {  	_ =	shalt  }
0x59: {  	_ =	shalt  }
0x5a: {  	_ =	shalt  }
0x5b: {  	_ =	shalt  }
0x5c: {  	_ =	shalt  }
0x5d: {  	_ =	shalt  }
0x5e: {  	_ =	shalt  }
0x5f: {  	_ =	shalt  }
0x60: {  	_ =	shalt  }
0x61: {  	_ =	shalt  }
0x62: {  	_ =	shalt  }
0x63: {  	_ =	shalt  }
0x64: {  	_ =	shalt  }
0x65: {  	_ =	shalt  }
0x66: {  	_ =	shalt  }
0x67: {  	_ =	shalt  }
0x68: {  	_ =	shalt  }
0x69: {  	_ =	shalt  }
0x6a: {  	_ =	shalt  }
0x6b: {  	_ =	shalt  }
0x6c: {  	_ =	shalt  }
0x6d: {  	_ =	shalt  }
0x6e: {  	_ =	shalt  }
0x6f: {  	_ =	shalt  }
0x70: {  	_ =	shalt  }
0x71: {  	_ =	shalt  }
0x72: {  	_ =	shalt  }
0x73: {  	_ =	shalt  }
0x74: {  	_ =	shalt  }
0x75: {  	_ =	shalt  }
0x76: {  	_ =	shalt  }
0x77: {  	_ =	shalt  }
0x78: {  	_ =	shalt  }
0x79: {  	_ =	shalt  }
0x7a: {  	_ =	shalt  }
0x7b: {  	_ =	shalt  }
0x7c: {  	_ =	shalt  }
0x7d: {  	_ =	shalt  }
0x7e: {  	_ =	shalt  }
0x7f: {  	_ =	shalt  }
0x80: {  	_ =	shalt  }
0x81: {  	_ =	shalt  }
0x82: {  	_ =	shalt  }
0x83: {  	_ =	shalt  }
0x84: {  	_ =	shalt  }
0x85: {  	_ =	shalt  }
0x86: {  	_ =	shalt  }
0x87: {  	_ =	shalt  }
.Lfunc_end0:
.L_simem_size_0:
called_computation_lowered:
.L_overlay_start_0:
0x88: {  	s2 =	sld [smem:$0x3FD9]  }
0x89: {  	s3 =	sld [smem:$0x3FFE];
	_ =	sdelay $0x1  }
0x8a: {  	s1 =	srdreg.scid  }
0x8b: {  	s0 =	sand.u32 $0x1, s1  }
0x8c: {  	s17 =	sshll.u32 s0, $0xA;
	s2 =	sadd.s32 s3, s2  }
0x8d: {  	s2 =	sadd.s32 s2, s17  }
0x8e: {  	[smem:$0x3FC4] =	sst s2  }
0x8f: {  	_ = 	snop  }
0x90: {  	s2 =	sld [smem:$0x3FD0];
	(tm) =	ssettm $0x1  }
0x91: {  	s18 =	sld [smem:$0x3FFB];
	_ =	sdelay $0x3  }
0x92: {  	_ =	strace s18  }
0x93: {  	s3 =	sld [smem:$0x3FFC];
	_ =	sdelay $0x3  }
0x94: {  	_ =	strace s3  }
0x95: {  	s3 =	sld [smem:$0x3FFD];
	_ =	sdelay $0x3  }
0x96: {  	_ =	strace s3  }
0x97: {  	_ =	strace $0x8FFFFFFF  }
0x98: {  	s19 =	sld [smem:$0x3FDB];
	_ =	sdelay $0x1  }
0x99: {  	s4 =	simm.s32 $_scs_section_size  }
0x9a: {  	s5 =	simm.s32 $_size__tile_overlayer_lowered;
	s6 =	simm.s32 $_tile_overlayer_lowered  }
0x9b: {  	s22 =	simm.s32 $0x1BFF;
	s21 =	sshll.u32 s6, $0x1;
	s3 =	sadd.s32 s4, s19  }
0x9c: {  	s7 =	simm.s32 $0x0;
	s20 =	sshll.u32 s5, $0x1;
	s5 =	sadd.s32 s21, s3  }
0x9d: {  	[timem:s7], [sflag:s22] =	dma.local [hbm:s5], s20  }
0x9e: {  	_ =	swait.ge [sflag:s22], s20  }
0x9f: {  	s4 =	ssub.s32 $0x0, s20;
	[sflag:s22] =	ssyncset.done $0x0  }
0xa0: {  	[sflag:s22] =	ssyncadd.s32 s4;
	_ =	sdelay $0x1  }
0xa1: {  	s23 =	simm.s32 $0x1B8B  }
0xa2: {  	_ =	swait.ge [sflag:s23], $0x1  }
0xa3: {  	[sflag:s23] =	ssyncset.done $0x0  }
0xa4: {  	s25 =	simm.s32 $0x1B8E;
	s24 =	sld [smem:$0x3FFE];
	[sflag:s23] =	ssyncadd.s32 $0xFFFFFFFF  }
0xa5: {  	s26 =	simm.s32 $execute0_lowered;
	[smem:$0x3FD2] =	sst s25  }
0xa6: {  	s5 =	sshll.u32 s26, $0x1;
	_ =	strace $0x80000046;
	[dreg:$0x1] =	wrdreg $0xFFFFFFFF  }
0xa7: {  	s28 =	simm.s32 $_size_execute0_lowered;
	s3 =	sadd.s32 s3, s5;
	[dreg:$0x0] =	wrdreg $0x0  }
0xa8: {  	s5 =	sshll.u32 s28, $0x1;
	[dreg:$0x2] =	wrdreg s3  }
0xa9: {  	[dreg:$0x3] =	wrdreg s5  }
0xaa: {  	[dreg:$0x4] =	wrdreg $0xC0  }
0xab: {  	_ =	task [dreg:s7], $0x5FFFF  }
0xac: {  	[dreg:$0x1] =	wrdreg $0xFFFFFFFF  }
0xad: {  	[dreg:$0x0] =	wrdreg $0x60  }
0xae: {  	[dreg:$0x2] =	wrdreg s24  }
0xaf: {  	[dreg:$0x3] =	wrdreg s2  }
0xb0: {  	[dreg:$0x4] =	wrdreg $0x40800  }
0xb1: {  	[dreg:$0x5] =	wrdreg $0x9  }
0xb2: {  	_ =	task.clear_ibuf [dreg:s7], $0x6FFFF;
	_ =	strace $0x90000046  }
0xb3: {  	s29 =	simm.s32 $0x9;
	_ =	strace $0x80000048  }
0xb4: {  	_ =	swait.ge [sflag:s29], $0x1  }
0xb5: {  	[sflag:s29] =	ssyncadd.s32 $0xFFFFFFFF  }
0xb6: {  	_ =	strace $0x90000048  }
0xb7: {  	_ =	sfence  }
0xb8: {  	s30 =	sld [smem:$0x0];
	_ =	sdelay $0x2  }
0xb9: {  	s31 =	sshll.u32 s1, $0xD;
	s1 =	sshrl.u32 s1, $0x2  }
0xba: {  	s3 =	sand.u32 $0x4000, s31;
	s1 =	sadd.s32 s1, s30  }
0xbb: {  	s0 =	sor.u32 s3, s0;
	s1 =	sshll.u32 s1, $0x11  }
0xbc: {  	s0 =	sor.u32 s1, s0  }
0xbd: {  	s0 =	sadd.s32 $0x8F2B, s0  }
0xbe: {  	[sflag:s0] =	ssyncadd.remote.s32 $0x1  }
0xbf: {  	_ =	sfence.sel $0xFFFF  }
0xc0: {  	[dreg:$0x0] =	wrdreg $0xFFFFFFFF;
	(pc) =	sbr.abs _section_cstart, $3  }
0xc1: {  	[dreg:$0x1] =	wrdreg $0xFFFFFFFF  }
0xc2: {  	_ =	task.clear_ibuf [dreg:s7], $0x2FFFF;
	_ =	strace $0x9FFFFFFF  }
0xc3: {  	(tm) =	ssettm $0x7FFFFFFF  }
tec
execute0_lowered:
.L_overlay_start_1:
0x0: {  	(tag) =	ssettag $0x1  }
0x1: {  	s5 =	rddreg [dreg:$0x0]  }
0x2: {  	s6 =	rddreg [dreg:$0x1]  }
0x3: {  	s1 =	rddreg [dreg:$0x2];
	s3 =	srdreg.scid  }
0x4: {  	s0 =	rddreg [dreg:$0x3];
	s7 =	sand.u32 $0x1, s3  }
0x5: {  	s3 =	stileid.u32;
	s4 =	smul.u32 $0x5000, s7  }
0x6: {  	s2 =	simm.s32 $0x0;
	s16 =	simm.s32 $0x80;
	s9 =	smul.u32 $0x50000, s3  }
0x7: {  	s17 =	simm.s32 $0x0;
	[smem:$0x7FF] =	sst s2;
	s11 =	smul.u32 $0x2800, s3  }
0x8: {  	_ =	strace $0x80000047;
	s10 =	ssub.s32 $0x2, s7;
	s7 =	smul.u32 $0x28000, s7  }
0x9: {  	s30 =	smul.u32 $0x500, s3;
	s31 =	sshll.u32 s3, $0x6;
	s12 =	sshrl.u32 s10, $0x1  }
0xa: {  	s8 =	sadd.s32 s4, s5;
	s4 =	sadd.s32 $0xBA00, s5;
	s5 =	sadd.s32 $0xC200, s5  }
0xb: {  	s9 =	sshrl.u32 s9, $0x2;
	s10 =	ssub.s32 s10, s12;
	s7 =	sadd.s32 s11, s7  }
0xc: {  	s29 =	sadd.s32 s9, s1;
	s6 =	sadd.s32 s6, s7;
	s8 =	sadd.s32 s30, s8  }
0xd: {  	s7 =	smax.u32 s10, $0x1;
	s9 =	simm.s32 $0x1;
	s10 =	sor.u32 $0x1C01, s31  }
0xe: {  	s13 =	sadd.s32 $0x5000, s29;
	s14 =	sadd.s32 $0xA000, s29;
	s15 =	sadd.s32 $0xF000, s29  }
0xf: {  	s8 =	sadd.s32 $0x1A00, s8;
	s11 =	sshrl.u32 s29, $0x3;
	s12 =	sshrl.u32 s13, $0x3  }
0x10: {  	s13 =	sshrl.u32 s14, $0x3;
	s14 =	sshrl.u32 s15, $0x3;
	s15 =	simm.s32 $0x4000  }
.LBB2_1:
0x11: {  	[tilespmem:s2], [sflag:$0x1] =	stream.linear.gather [hbm4b:s4+s2], $0x4000, $0x38;
	[tilespmem:$0x18080] =	vst v63  }
0x12: {  	_ =	swait.ge [sflag:s9], $0x4000  }
0x13: {  	[sflag:s9] =	ssyncset.done $0x0  }
0x14: {  	[sflag:s9] =	ssyncadd.s32 $0xFFFFC000  }
0x15: {  	[spmem:s11], [sflag:s10] =	dma.local [hbm:s5], $0xA00  }
0x16: {  	_ =	swait.ge [sflag:s9], $0xA00  }
0x17: {  	[sflag:s9] =	ssyncset.done $0x0  }
0x18: {  	[sflag:s9] =	ssyncadd.s32 $0xFFFFF600  }
0x19: {  	[spmem:s12], [sflag:s10] =	dma.local [hbm:s5], $0xA00  }
0x1a: {  	_ =	swait.ge [sflag:s9], $0xA00  }
0x1b: {  	[sflag:s9] =	ssyncset.done $0x0  }
0x1c: {  	[sflag:s9] =	ssyncadd.s32 $0xFFFFF600  }
0x1d: {  	[spmem:s13], [sflag:s10] =	dma.local [hbm:s5], $0xA00  }
0x1e: {  	_ =	swait.ge [sflag:s9], $0xA00  }
0x1f: {  	[sflag:s9] =	ssyncset.done $0x0  }
0x20: {  	[sflag:s9] =	ssyncadd.s32 $0xFFFFF600  }
0x21: {  	[spmem:s14], [sflag:s10] =	dma.local [hbm:s5], $0xA00  }
0x22: {  	_ =	swait.ge [sflag:s9], $0xA00  }
0x23: {  	[sflag:s9] =	ssyncset.done $0x0  }
0x24: {  	[sflag:s9] =	ssyncadd.s32 $0xFFFFF600  }
0x25: {  	s18 =	sadd.s32 $0x0, s8;
	[bflag:$0x0] =	sbarrier.arrive $0xFFFF  }
0x26: {  	[tilespmem:s15], [sflag:$0x1] =	stream.linear.gather [hbm4b:s18+s2], $0x80, $0x38;
	[tilespmem:$0x18080] =	vst v63  }
0x27: {  	_ =	swait.ge [sflag:s9], $0x80  }
0x28: {  	[sflag:s9] =	ssyncset.done $0x0  }
0x29: {  	[sflag:s9] =	ssyncadd.s32 $0xFFFFFF80  }
0x2a: {  	[spmem:s1] =	stream.indirect.scatter.add.f32 [tilespmem:s2], [sflag:$0x1], $0x80, s15, s16, $0xb8;
	[tilespmem:$0x18080] =	vst v63  }
0x2b: {  	_ =	swait.ge [sflag:s9], $0x4000  }
0x2c: {  	s19 =	simm.s32 $0x20;
	s18 =	simm.s32 $0x10;
	[sflag:s9] =	ssyncset.done $0x0  }
.LBB2_2:
0x2d: {  	s20 =	sadd.s32 s18, s8  }
0x2e: {  	[sflag:s9] =	ssyncadd.s32 $0xFFFFC000;
	s18 =	smov.u32 s19;
	s21 =	sadd.s32 $0x10, s19  }
0x2f: {  	[tilespmem:s15], [sflag:$0x1] =	stream.linear.gather [hbm4b:s20+s2], $0x80, $0x38;
	[tilespmem:$0x18080] =	vst v63  }
0x30: {  	p0 =	sne.s32 s19, $0x4F0;
	_ =	swait.ge [sflag:s9], $0x80  }
.Ltmp0:
0x31: {  	[sflag:s9] =	ssyncset.done $0x0;
	(pc) =	sbr.rel @p0 .LBB2_2-.Ltmp0, $4  }
0x32: {  	[sflag:s9] =	ssyncadd.s32 $0xFFFFFF80  }
0x33: {  	[spmem:s1] =	stream.indirect.scatter.add.f32 [tilespmem:s2], [sflag:$0x1], $0x80, s15, s16, $0xb8;
	[tilespmem:$0x18080] =	vst v63  }
0x34: {  	_ =	swait.ge [sflag:s9], $0x4000  }
0x35: {  	s19 =	smov.u32 s21;
	[sflag:s9] =	ssyncset.done $0x0  }
0x36: {  	s18 =	sadd.s32 s18, s8;
	[sflag:s9] =	ssyncadd.s32 $0xFFFFC000  }
0x37: {  	[tilespmem:s15], [sflag:$0x1] =	stream.linear.gather [hbm4b:s18+s2], $0x80, $0x38;
	[tilespmem:$0x18080] =	vst v63  }
0x38: {  	_ =	swait.ge [sflag:s9], $0x80  }
0x39: {  	[sflag:s9] =	ssyncset.done $0x0  }
0x3a: {  	[sflag:s9] =	ssyncadd.s32 $0xFFFFFF80  }
0x3b: {  	[spmem:s1] =	stream.indirect.scatter.add.f32 [tilespmem:s2], [sflag:$0x1], $0x80, s15, s16, $0xb8;
	[tilespmem:$0x18080] =	vst v63  }
0x3c: {  	_ =	swait.ge [sflag:s9], $0x4000  }
0x3d: {  	s17 =	sadd.s32 $0x1, s17;
	[sflag:s9] =	ssyncset.done $0x0  }
0x3e: {  	p0 =	sne.s32 s17, s7;
	[sflag:s9] =	ssyncadd.s32 $0xFFFFC000  }
.Ltmp1:
0x3f: {  	[bflag:$0x0] =	sbarrier.arrive $0xFFFF;
	(pc) =	sbr.rel @p0 .LBB2_1-.Ltmp1, $4  }
0x40: {  	[hbm:s6], [sflag:s10] =	dma.local [spmem:s11], $0x2800  }
0x41: {  	_ =	swait.ge [sflag:s9], $0x2800  }
0x42: {  	[sflag:s9] =	ssyncset.done $0x0  }
0x43: {  	[sflag:s9] =	ssyncadd.s32 $0xFFFFD800  }
0x44: {  	_ =	sfence.sel $0x180000  }
0x45: {  	[bflag:$0x0] =	sbarrier.arrive $0xFFFF  }
0x46: {  	p0 =	sne.s32 s3, $0x0;
	_ =	strace $0x90000047  }
0x47: {  	s0 =	sadd.s32 @!p0 $0x100000, s0;
	[bflag:$0x2] =	sbarrier.arrive $0xFFFF  }
0x48: {  	[sflag:s0] =	ssyncadd.tile.s32 @!p0 $0x1;
	_ =	shalt  }
.Lfunc_end2:
_tile_overlayer_lowered:
.L_overlay_start_2:
0x49: {  	(tag) =	ssettag $0x2  }
0x4a: {  	s0 =	rddreg [dreg:$0x0];
	s2 =	stileid.u32  }
0x4b: {  	s1 =	rddreg [dreg:$0x1];
	p0 =	sne.s32 s2, $0x0  }
0x4c: {  	s3 =	rddreg [dreg:$0x2];
	[bflag:$0x3] =	sbarrier.arrive $0xFFFF;
	s2 =	simm.s32 @!p0 $0x1C01  }
0x4d: {  	[timem:s3], [sflag:s2] =	dma.local @!p0 [hbm:s0], s1  }
0x4e: {  	s0 =	simm.s32 @!p0 $0x1  }
0x4f: {  	_ =	swait.ge @!p0 [sflag:s0], s1  }
0x50: {  	s1 =	ssub.s32 @!p0 $0x0, s1;
	[sflag:s0] =	ssyncset.done @!p0 $0x0  }
0x51: {  	[sflag:s0] =	ssyncadd.s32 @!p0 s1  }
0x52: {  	[bflag:$0x3] =	sbarrier.arrive $0xFFFF  }
0x53: {  	_ =	shalt  }

// kernel: gcn_edge_scatter_sc.3.cloned.1.call-start
scs
__scs_entry_jumppad:
0x0: {  	(pc) =	sbr.rel $0x88, $3  }
0x1: {  	(tag) =	ssettag $0x0;
	lr =	simm.s32 $0x1  }
0x2: {  	[smem:$0x3F9D] =	sst lr;
	_ =	strace $0xD0000000  }
0x3: {  	_ = 	snop  }
0x4: {  	_ = 	snop  }
0x5: {  	_ = 	snop  }
0x6: {  	_ = 	snop  }
0x7: {  	_ = 	snop  }
__scs_overlays_trampoline_lowered:
0x8: {  	[smem:$0x3FAC] =	sst s0  }
0x9: {  	[smem:$0x3FAD] =	sst s1  }
0xa: {  	[smem:$0x3FAE] =	sst s2  }
0xb: {  	[smem:$0x3FAF] =	sst s3  }
0xc: {  	[smem:$0x3FB0] =	sst s4  }
0xd: {  	[smem:$0x3FB1] =	sst s5  }
0xe: {  	[smem:$0x3FB2] =	sst s6  }
0xf: {  	[smem:$0x3FB3] =	sst s7  }
0x10: {  	[smem:$0x3FB4] =	sst s8  }
0x11: {  	[smem:$0x3FB5] =	sst s9;
	s0 =	simm.s32 @!p0 $0x0  }
0x12: {  	s1 =	sld [smem:$0x3F9B];
	s0 =	simm.s32 @p0 $0x1  }
0x13: {  	[smem:$0x3FB6] =	sst s0;
	s0 =	simm.s32 @!p1 $0x0  }
0x14: {  	s2 =	sld [smem:$0x3F9A];
	s0 =	simm.s32 @p1 $0x1  }
0x15: {  	[smem:$0x3FB7] =	sst s0;
	s0 =	simm.s32 @!p2 $0x0  }
0x16: {  	s3 =	sld [smem:$0x3FDB];
	s0 =	simm.s32 @p2 $0x1  }
0x17: {  	s4 =	simm.s32 $0x1BF5;
	[smem:$0x3FB9] =	sst s0  }
0x18: {  	s0 =	sld [smem:$0x3F9C];
	_ =	swait.ge [sflag:s4], $0x0  }
0x19: {  	s7 =	sld [smem:$0x3F9D]  }
0x1a: {  	s8 =	sadd.s32 $0xFFFFE003, lr  }
0x1b: {  	s9 =	sadd.s32 $0xFFFFFEF7, lr;
	s5 =	simm.s32 $0xFFFFFFFF;
	p2 =	slt.u32 s8, $0xFFFFF086  }
0x1c: {  	p1 =	slt.u32 s9, $0xF7A;
	s5 =	simm.s32 @!p2 $0x0  }
0x1d: {  	s5 =	simm.s32 @p1 $0x1;
	p0 =	seq.s32 s7, s2  }
0x1e: {  	s7 =	smul.u32 @!p0 $0xF7A, s2;
	p2 =	seq.s32 @!p0 s5, $0x0  }
0x1f: {  	s9 =	smul.u32 $0xF7A, s1;
	s8 =	simm.s32 @!p0 $0x1BF5;
	p2 =	por !p2, p0  }
0x20: {  	[sflag:s8] =	ssyncset.s32 @!p0 $0xFFFFF086;
	s6 =	sadd.s32 @!p0 s3, s7;
	s7 =	simm.s32 @!p0 $0x108  }
0x21: {  	s3 =	sadd.s32 s3, s9;
	s6 =	sadd.s32 @!p0 $0x88, s6;
	s7 =	simm.s32 @p2 $0x1082  }
0x22: {  	[simem:s7], [sflag:s8] =	dma.local @!p0 [hbm:s6], $0xF7A  }
0x23: {  	s9 =	sor.u32 $0xD0000000, s2;
	s6 =	simm.s32 $0x108;
	_ =	swait.ge @!p0 [sflag:s8], $0x0  }
0x24: {  	s3 =	sadd.s32 $0x88, s3;
	s6 =	simm.s32 @!p1 $0x1082;
	[sflag:s4] =	ssyncset.s32 $0xFFFFF086  }
0x25: {  	[simem:s6], [sflag:s4] =	dma.local [hbm:s3], $0xF7A  }
0x26: {  	[smem:$0x3F9D] =	sst s1;
	(tag) =	ssettag s2;
	_ =	strace s9  }
0x27: {  	s1 =	sld [smem:$0x3FAD]  }
0x28: {  	s2 =	sld [smem:$0x3FAE]  }
0x29: {  	s4 =	sld [smem:$0x3FB0]  }
0x2a: {  	p0 =	seq.s32 s5, $0x0;
	s5 =	sld [smem:$0x3FB1]  }
0x2b: {  	s6 =	sld [smem:$0x3FB2]  }
0x2c: {  	s7 =	sld [smem:$0x3FB3]  }
0x2d: {  	s3 =	simm.s32 $0x108;
	s8 =	sld [smem:$0x3FB4]  }
0x2e: {  	s3 =	simm.s32 @!p0 $0x1082;
	s9 =	sld [smem:$0x3FB5]  }
0x2f: {  	lr =	sadd.s32 s0, s3;
	s0 =	sld [smem:$0x3FAC]  }
0x30: {  	s3 =	sld [smem:$0x3FAF]  }
0x31: {  	[smem:$0x3FB8] =	sst s10  }
0x32: {  	s10 =	sld [smem:$0x3FB6];
	_ =	sdelay $0x3  }
0x33: {  	p0 =	seq.s32 s10, $0x1;
	s10 =	sld [smem:$0x3FB8];
	_ =	sdelay $0x3  }
0x34: {  	[smem:$0x3FB8] =	sst s10  }
0x35: {  	s10 =	sld [smem:$0x3FB7];
	_ =	sdelay $0x3  }
0x36: {  	p1 =	seq.s32 s10, $0x1;
	s10 =	sld [smem:$0x3FB8];
	_ =	sdelay $0x3  }
0x37: {  	[smem:$0x3FB8] =	sst s10  }
0x38: {  	s10 =	sld [smem:$0x3FB9]  }
0x39: {  	_ = 	snop;
	(pc) =	sbr.ind lr, $3  }
0x3a: {  	_ = 	snop  }
0x3b: {  	_ = 	snop  }
0x3c: {  	p2 =	seq.s32 s10, $0x1;
	s10 =	sld [smem:$0x3FB8]  }
0x3d: {  	_ =	shalt  }
0x3e: {  	_ =	shalt  }
0x3f: {  	_ =	shalt  }
0x40: {  	_ =	shalt  }
0x41: {  	_ =	shalt  }
0x42: {  	_ =	shalt  }
0x43: {  	_ =	shalt  }
0x44: {  	_ =	shalt  }
0x45: {  	_ =	shalt  }
0x46: {  	_ =	shalt  }
0x47: {  	_ =	shalt  }
0x48: {  	_ =	shalt  }
0x49: {  	_ =	shalt  }
0x4a: {  	_ =	shalt  }
0x4b: {  	_ =	shalt  }
0x4c: {  	_ =	shalt  }
0x4d: {  	_ =	shalt  }
0x4e: {  	_ =	shalt  }
0x4f: {  	_ =	shalt  }
0x50: {  	_ =	shalt  }
0x51: {  	_ =	shalt  }
0x52: {  	_ =	shalt  }
0x53: {  	_ =	shalt  }
0x54: {  	_ =	shalt  }
0x55: {  	_ =	shalt  }
0x56: {  	_ =	shalt  }
0x57: {  	_ =	shalt  }
0x58: {  	_ =	shalt  }
0x59: {  	_ =	shalt  }
0x5a: {  	_ =	shalt  }
0x5b: {  	_ =	shalt  }
0x5c: {  	_ =	shalt  }
0x5d: {  	_ =	shalt  }
0x5e: {  	_ =	shalt  }
0x5f: {  	_ =	shalt  }
0x60: {  	_ =	shalt  }
0x61: {  	_ =	shalt  }
0x62: {  	_ =	shalt  }
0x63: {  	_ =	shalt  }
0x64: {  	_ =	shalt  }
0x65: {  	_ =	shalt  }
0x66: {  	_ =	shalt  }
0x67: {  	_ =	shalt  }
0x68: {  	_ =	shalt  }
0x69: {  	_ =	shalt  }
0x6a: {  	_ =	shalt  }
0x6b: {  	_ =	shalt  }
0x6c: {  	_ =	shalt  }
0x6d: {  	_ =	shalt  }
0x6e: {  	_ =	shalt  }
0x6f: {  	_ =	shalt  }
0x70: {  	_ =	shalt  }
0x71: {  	_ =	shalt  }
0x72: {  	_ =	shalt  }
0x73: {  	_ =	shalt  }
0x74: {  	_ =	shalt  }
0x75: {  	_ =	shalt  }
0x76: {  	_ =	shalt  }
0x77: {  	_ =	shalt  }
0x78: {  	_ =	shalt  }
0x79: {  	_ =	shalt  }
0x7a: {  	_ =	shalt  }
0x7b: {  	_ =	shalt  }
0x7c: {  	_ =	shalt  }
0x7d: {  	_ =	shalt  }
0x7e: {  	_ =	shalt  }
0x7f: {  	_ =	shalt  }
0x80: {  	_ =	shalt  }
0x81: {  	_ =	shalt  }
0x82: {  	_ =	shalt  }
0x83: {  	_ =	shalt  }
0x84: {  	_ =	shalt  }
0x85: {  	_ =	shalt  }
0x86: {  	_ =	shalt  }
0x87: {  	_ =	shalt  }
.Lfunc_end0:
.L_simem_size_0:
called_computation.1_lowered:
.L_overlay_start_0:
0x88: {  	s2 =	sld [smem:$0x3FD9]  }
0x89: {  	s3 =	sld [smem:$0x3FFE];
	_ =	sdelay $0x1  }
0x8a: {  	s1 =	srdreg.scid  }
0x8b: {  	s0 =	sand.u32 $0x1, s1  }
0x8c: {  	s16 =	sshll.u32 s0, $0xA;
	s2 =	sadd.s32 s3, s2  }
0x8d: {  	s2 =	sadd.s32 s2, s16  }
0x8e: {  	[smem:$0x3FC4] =	sst s2  }
0x8f: {  	_ = 	snop  }
0x90: {  	(tm) =	ssettm $0x1  }
0x91: {  	s17 =	sld [smem:$0x3FFB];
	_ =	sdelay $0x3  }
0x92: {  	_ =	strace s17  }
0x93: {  	s2 =	sld [smem:$0x3FFC];
	_ =	sdelay $0x3  }
0x94: {  	_ =	strace s2  }
0x95: {  	s2 =	sld [smem:$0x3FFD];
	_ =	sdelay $0x3  }
0x96: {  	_ =	strace s2  }
0x97: {  	_ =	strace $0x8FFFFFFF  }
0x98: {  	s18 =	sld [smem:$0x3FDB];
	_ =	sdelay $0x1  }
0x99: {  	s19 =	simm.s32 $_scs_section_size  }
0x9a: {  	s4 =	simm.s32 $_size__tile_overlayer_lowered;
	s5 =	simm.s32 $_tile_overlayer_lowered  }
0x9b: {  	s22 =	simm.s32 $0x1BFF;
	s21 =	sshll.u32 s5, $0x1;
	s2 =	sadd.s32 s19, s18  }
0x9c: {  	s6 =	simm.s32 $0x0;
	s20 =	sshll.u32 s4, $0x1;
	s4 =	sadd.s32 s21, s2  }
0x9d: {  	[timem:s6], [sflag:s22] =	dma.local [hbm:s4], s20  }
0x9e: {  	_ =	swait.ge [sflag:s22], s20  }
0x9f: {  	s3 =	ssub.s32 $0x0, s20;
	[sflag:s22] =	ssyncset.done $0x0  }
0xa0: {  	[sflag:s22] =	ssyncadd.s32 s3;
	_ =	sdelay $0x1  }
0xa1: {  	s23 =	simm.s32 $0x1B8B  }
0xa2: {  	_ =	swait.ge [sflag:s23], $0x1  }
0xa3: {  	[sflag:s23] =	ssyncset.done $0x0  }
0xa4: {  	s25 =	simm.s32 $0x1B8E;
	s24 =	sld [smem:$0x3FFE];
	[sflag:s23] =	ssyncadd.s32 $0xFFFFFFFF  }
0xa5: {  	s26 =	simm.s32 $execute0_lowered;
	[smem:$0x3FD2] =	sst s25  }
0xa6: {  	s4 =	sshll.u32 s26, $0x1;
	_ =	strace $0x80000049;
	[dreg:$0x1] =	wrdreg $0xFFFFFFFF  }
0xa7: {  	s28 =	simm.s32 $_size_execute0_lowered;
	s2 =	sadd.s32 s2, s4;
	[dreg:$0x0] =	wrdreg $0x0  }
0xa8: {  	s4 =	sshll.u32 s28, $0x1;
	[dreg:$0x2] =	wrdreg s2  }
0xa9: {  	[dreg:$0x3] =	wrdreg s4  }
0xaa: {  	[dreg:$0x4] =	wrdreg $0xC0  }
0xab: {  	_ =	task [dreg:s6], $0x5FFFF  }
0xac: {  	[dreg:$0x1] =	wrdreg $0xFFFFFFFF  }
0xad: {  	[dreg:$0x0] =	wrdreg $0x60  }
0xae: {  	[dreg:$0x2] =	wrdreg s24  }
0xaf: {  	[dreg:$0x3] =	wrdreg $0x41000  }
0xb0: {  	[dreg:$0x4] =	wrdreg $0x9  }
0xb1: {  	_ =	task.clear_ibuf [dreg:s6], $0x5FFFF;
	_ =	strace $0x90000049  }
0xb2: {  	s29 =	simm.s32 $0x9;
	_ =	strace $0x8000004B  }
0xb3: {  	_ =	swait.ge [sflag:s29], $0x1  }
0xb4: {  	[sflag:s29] =	ssyncadd.s32 $0xFFFFFFFF  }
0xb5: {  	_ =	strace $0x9000004B  }
0xb6: {  	_ =	sfence  }
0xb7: {  	s30 =	sld [smem:$0x0];
	_ =	sdelay $0x2  }
0xb8: {  	s31 =	sshll.u32 s1, $0xD;
	s1 =	sshrl.u32 s1, $0x2  }
0xb9: {  	s3 =	sand.u32 $0x4000, s31;
	s1 =	sadd.s32 s1, s30  }
0xba: {  	s0 =	sor.u32 s3, s0;
	s1 =	sshll.u32 s1, $0x11  }
0xbb: {  	s0 =	sor.u32 s1, s0  }
0xbc: {  	s0 =	sadd.s32 $0x8F2B, s0  }
0xbd: {  	[sflag:s0] =	ssyncadd.remote.s32 $0x1  }
0xbe: {  	_ =	sfence.sel $0xFFFF  }
0xbf: {  	[dreg:$0x0] =	wrdreg $0xFFFFFFFF;
	(pc) =	sbr.abs _section_cstart, $3  }
0xc0: {  	[dreg:$0x1] =	wrdreg $0xFFFFFFFF  }
0xc1: {  	_ =	task.clear_ibuf [dreg:s6], $0x2FFFF;
	_ =	strace $0x9FFFFFFF  }
0xc2: {  	(tm) =	ssettm $0x7FFFFFFF  }
0xc3: {  	_ =	shalt  }
tec
execute0_lowered:
.L_overlay_start_1:
0x0: {  	(tag) =	ssettag $0x1  }
0x1: {  	s5 =	rddreg [dreg:$0x0]  }
0x2: {  	s2 =	rddreg [dreg:$0x1]  }
0x3: {  	s0 =	rddreg [dreg:$0x2];
	s3 =	simm.s32 $0x0;
	s1 =	stileid.u32  }
0x4: {  	s6 =	srdreg.scid;
	s17 =	simm.s32 $0x100;
	s4 =	smul.u32 $0x9D0, s1  }
0x5: {  	s18 =	simm.s32 $0x1;
	s19 =	simm.s32 $0x0;
	s8 =	smul.u32 $0x280, s1  }
0x6: {  	[smem:$0x7FF] =	sst s3;
	s13 =	sadd.s32 $0x16A00, s5;
	s10 =	smul.u32 $0x50000, s1  }
0x7: {  	s6 =	sand.u32 $0x1, s6;
	s11 =	sadd.s32 $0x3DE00, s5;
	s16 =	smul.u32 $0x4E80, s1  }
0x8: {  	s26 =	sshll.u32 s1, $0x6;
	_ =	strace $0x8000004A;
	s21 =	smul.u32 $0x2800, s6  }
0x9: {  	s7 =	ssub.s32 $0x2, s6;
	s23 =	smul.u32 $0x4E800, s6;
	s6 =	sor.u32 $0x2, s6  }
0xa: {  	s12 =	sadd.s32 s4, s5;
	s4 =	sadd.s32 $0xDDE00, s5;
	s9 =	sshrl.u32 s7, $0x1  }
0xb: {  	s22 =	sshrl.u32 s10, $0x2;
	s24 =	smul.u32 $0x2800, s6;
	s6 =	sor.u32 $0x1C02, s26  }
0xc: {  	s14 =	ssub.s32 s7, s9;
	s15 =	sadd.s32 s22, s2;
	s5 =	sadd.s32 s8, s21  }
0xd: {  	s16 =	sadd.s32 s16, s23;
	s12 =	sadd.s32 $0xCC00, s12;
	s25 =	sshll.u32 s5, $0x4  }
0xe: {  	s8 =	sadd.s32 s8, s24;
	s29 =	sadd.s32 $0x9D000, s16;
	s10 =	smax.u32 s14, $0x1  }
0xf: {  	s30 =	sshrl.u32 s16, $0x3;
	s14 =	sshrl.u32 s15, $0x3;
	s15 =	simm.s32 $0x2  }
0x10: {  	s16 =	simm.s32 $0x80;
	s5 =	sadd.s32 s4, s25;
	s28 =	sshll.u32 s8, $0x4  }
0x11: {  	s7 =	sadd.s32 s11, s25;
	s31 =	sshrl.u32 s29, $0x3;
	s8 =	sadd.s32 s4, s28  }
0x12: {  	s9 =	sadd.s32 s11, s28;
	s11 =	sadd.s32 s30, s13;
	s13 =	sadd.s32 s31, s13  }
.LBB2_1:
0x13: {  	[spmem:s14], [sflag:s6] =	dma.local [hbm:s5], $0x2800  }
0x14: {  	_ =	swait.ge [sflag:s15], $0x2800  }
0x15: {  	[sflag:s15] =	ssyncset.done $0x0  }
0x16: {  	[sflag:s15] =	ssyncadd.s32 $0xFFFFD800  }
0x17: {  	s20 =	sadd.s32 $0x0, s11;
	[bflag:$0x0] =	sbarrier.arrive $0xFFFF  }
0x18: {  	[tilespmem:s3], [sflag:$0x2] =	stream.linear.gather [hbm4b:s20+s3], $0x80, $0x38;
	[tilespmem:$0x18100] =	vst v63  }
0x19: {  	_ =	swait.ge [sflag:s15], $0x80  }
0x1a: {  	[sflag:s15] =	ssyncset.done $0x0  }
0x1b: {  	[sflag:s15] =	ssyncadd.s32 $0xFFFFFF80  }
0x1c: {  	[tilespmem:s17], [sflag:$0x1] =	stream.indirect.gather [hbm4b:s4+s16], $0x80, s3, s16, $0xb8;
	[tilespmem:$0x18100] =	vst v63  }
0x1d: {  	_ =	swait.ge [sflag:s18], $0x4000  }
0x1e: {  	[sflag:s18] =	ssyncset.done $0x0  }
0x1f: {  	s31 =	sadd.s32 $0x0, s12;
	[sflag:s18] =	ssyncadd.s32 $0xFFFFC000  }
0x20: {  	[tilespmem:s16], [sflag:$0x2] =	stream.linear.gather [hbm4b:s31+s3], $0x80, $0x38;
	[tilespmem:$0x18100] =	vst v63  }
0x21: {  	_ =	swait.ge [sflag:s15], $0x80  }
0x22: {  	[sflag:s15] =	ssyncset.done $0x0  }
0x23: {  	[sflag:s15] =	ssyncadd.s32 $0xFFFFFF80  }
0x24: {  	[spmem:s2] =	stream.indirect.scatter.add.f32 [tilespmem:s17], [sflag:$0x2], $0x80, s16, s16, $0xb8;
	[tilespmem:$0x18100] =	vst v63  }
0x25: {  	_ =	swait.ge [sflag:s15], $0x4000  }
0x26: {  	s21 =	simm.s32 $0x20;
	s20 =	simm.s32 $0x10;
	[sflag:s15] =	ssyncset.done $0x0  }
.LBB2_2:
0x27: {  	s22 =	sadd.s32 s20, s11  }
0x28: {  	[sflag:s15] =	ssyncadd.s32 $0xFFFFC000;
	s23 =	smov.u32 s21;
	s24 =	sadd.s32 $0x10, s21  }
0x29: {  	[tilespmem:s3], [sflag:$0x2] =	stream.linear.gather [hbm4b:s22+s3], $0x80, $0x38;
	[tilespmem:$0x18100] =	vst v63  }
0x2a: {  	p0 =	sne.s32 s21, $0x9C0;
	_ =	swait.ge [sflag:s15], $0x80  }
0x2b: {  	[sflag:s15] =	ssyncset.done $0x0  }
0x2c: {  	[sflag:s15] =	ssyncadd.s32 $0xFFFFFF80  }
0x2d: {  	[tilespmem:s17], [sflag:$0x1] =	stream.indirect.gather [hbm4b:s4+s16], $0x80, s3, s16, $0xb8;
	[tilespmem:$0x18100] =	vst v63  }
0x2e: {  	_ =	swait.ge [sflag:s18], $0x4000  }
0x2f: {  	[sflag:s18] =	ssyncset.done $0x0  }
0x30: {  	s21 =	sadd.s32 s20, s12;
	s20 =	smov.u32 s23;
	[sflag:s18] =	ssyncadd.s32 $0xFFFFC000  }
0x31: {  	[tilespmem:s16], [sflag:$0x2] =	stream.linear.gather [hbm4b:s21+s3], $0x80, $0x38;
	[tilespmem:$0x18100] =	vst v63  }
0x32: {  	_ =	swait.ge [sflag:s15], $0x80  }
.Ltmp0:
0x33: {  	[sflag:s15] =	ssyncset.done $0x0;
	(pc) =	sbr.rel @p0 .LBB2_2-.Ltmp0, $4  }
0x34: {  	[sflag:s15] =	ssyncadd.s32 $0xFFFFFF80  }
0x35: {  	[spmem:s2] =	stream.indirect.scatter.add.f32 [tilespmem:s17], [sflag:$0x2], $0x80, s16, s16, $0xb8;
	[tilespmem:$0x18100] =	vst v63  }
0x36: {  	_ =	swait.ge [sflag:s15], $0x4000  }
0x37: {  	s21 =	smov.u32 s24;
	[sflag:s15] =	ssyncset.done $0x0  }
0x38: {  	s21 =	sadd.s32 s20, s11;
	[sflag:s15] =	ssyncadd.s32 $0xFFFFC000  }
0x39: {  	[tilespmem:s3], [sflag:$0x2] =	stream.linear.gather [hbm4b:s21+s3], $0x80, $0x38;
	[tilespmem:$0x18100] =	vst v63  }
0x3a: {  	_ =	swait.ge [sflag:s15], $0x80  }
0x3b: {  	[sflag:s15] =	ssyncset.done $0x0  }
0x3c: {  	[sflag:s15] =	ssyncadd.s32 $0xFFFFFF80  }
0x3d: {  	[tilespmem:s17], [sflag:$0x1] =	stream.indirect.gather [hbm4b:s4+s16], $0x80, s3, s16, $0xb8;
	[tilespmem:$0x18100] =	vst v63  }
0x3e: {  	_ =	swait.ge [sflag:s18], $0x4000  }
0x3f: {  	[sflag:s18] =	ssyncset.done $0x0  }
0x40: {  	s29 =	sadd.s32 s20, s12;
	[sflag:s18] =	ssyncadd.s32 $0xFFFFC000  }
0x41: {  	[tilespmem:s16], [sflag:$0x2] =	stream.linear.gather [hbm4b:s29+s3], $0x80, $0x38;
	[tilespmem:$0x18100] =	vst v63  }
0x42: {  	_ =	swait.ge [sflag:s15], $0x80  }
0x43: {  	[sflag:s15] =	ssyncset.done $0x0  }
0x44: {  	[sflag:s15] =	ssyncadd.s32 $0xFFFFFF80  }
0x45: {  	[spmem:s2] =	stream.indirect.scatter.add.f32 [tilespmem:s17], [sflag:$0x2], $0x80, s16, s16, $0xb8;
	[tilespmem:$0x18100] =	vst v63  }
0x46: {  	_ =	swait.ge [sflag:s15], $0x4000  }
0x47: {  	[sflag:s15] =	ssyncset.done $0x0  }
0x48: {  	[sflag:s15] =	ssyncadd.s32 $0xFFFFC000  }
0x49: {  	[bflag:$0x0] =	sbarrier.arrive $0xFFFF  }
0x4a: {  	[hbm:s7], [sflag:s6] =	dma.local [spmem:s14], $0x2800  }
0x4b: {  	_ =	swait.ge [sflag:s15], $0x2800  }
0x4c: {  	[sflag:s15] =	ssyncset.done $0x0  }
0x4d: {  	[sflag:s15] =	ssyncadd.s32 $0xFFFFD800  }
0x4e: {  	[bflag:$0x0] =	sbarrier.arrive $0xFFFF  }
0x4f: {  	[spmem:s14], [sflag:s6] =	dma.local [hbm:s8], $0x2800  }
0x50: {  	_ =	swait.ge [sflag:s15], $0x2800  }
0x51: {  	[sflag:s15] =	ssyncset.done $0x0  }
0x52: {  	[sflag:s15] =	ssyncadd.s32 $0xFFFFD800  }
0x53: {  	s30 =	sadd.s32 $0x0, s13;
	[bflag:$0x0] =	sbarrier.arrive $0xFFFF  }
0x54: {  	[tilespmem:s3], [sflag:$0x2] =	stream.linear.gather [hbm4b:s30+s3], $0x80, $0x38;
	[tilespmem:$0x18100] =	vst v63  }
0x55: {  	_ =	swait.ge [sflag:s15], $0x80  }
0x56: {  	[sflag:s15] =	ssyncset.done $0x0  }
0x57: {  	[sflag:s15] =	ssyncadd.s32 $0xFFFFFF80  }
0x58: {  	[tilespmem:s17], [sflag:$0x1] =	stream.indirect.gather [hbm4b:s4+s16], $0x80, s3, s16, $0xb8;
	[tilespmem:$0x18100] =	vst v63  }
0x59: {  	_ =	swait.ge [sflag:s18], $0x4000  }
0x5a: {  	[sflag:s18] =	ssyncset.done $0x0  }
0x5b: {  	s31 =	sadd.s32 $0x0, s12;
	[sflag:s18] =	ssyncadd.s32 $0xFFFFC000  }
0x5c: {  	[tilespmem:s16], [sflag:$0x2] =	stream.linear.gather [hbm4b:s31+s3], $0x80, $0x38;
	[tilespmem:$0x18100] =	vst v63  }
0x5d: {  	_ =	swait.ge [sflag:s15], $0x80  }
0x5e: {  	[sflag:s15] =	ssyncset.done $0x0  }
0x5f: {  	[sflag:s15] =	ssyncadd.s32 $0xFFFFFF80  }
0x60: {  	[spmem:s2] =	stream.indirect.scatter.add.f32 [tilespmem:s17], [sflag:$0x2], $0x80, s16, s16, $0xb8;
	[tilespmem:$0x18100] =	vst v63  }
0x61: {  	_ =	swait.ge [sflag:s15], $0x4000  }
0x62: {  	s20 =	simm.s32 $0x10;
	s21 =	simm.s32 $0x20;
	[sflag:s15] =	ssyncset.done $0x0  }
.LBB2_4:
0x63: {  	s22 =	sadd.s32 s20, s13  }
0x64: {  	[sflag:s15] =	ssyncadd.s32 $0xFFFFC000;
	s23 =	smov.u32 s21;
	s24 =	sadd.s32 $0x10, s21  }
0x65: {  	[tilespmem:s3], [sflag:$0x2] =	stream.linear.gather [hbm4b:s22+s3], $0x80, $0x38;
	[tilespmem:$0x18100] =	vst v63  }
0x66: {  	p0 =	sne.s32 s21, $0x9C0;
	_ =	swait.ge [sflag:s15], $0x80  }
0x67: {  	[sflag:s15] =	ssyncset.done $0x0  }
0x68: {  	[sflag:s15] =	ssyncadd.s32 $0xFFFFFF80  }
0x69: {  	[tilespmem:s17], [sflag:$0x1] =	stream.indirect.gather [hbm4b:s4+s16], $0x80, s3, s16, $0xb8;
	[tilespmem:$0x18100] =	vst v63  }
0x6a: {  	_ =	swait.ge [sflag:s18], $0x4000  }
0x6b: {  	[sflag:s18] =	ssyncset.done $0x0  }
0x6c: {  	s21 =	sadd.s32 s20, s12;
	s20 =	smov.u32 s23;
	[sflag:s18] =	ssyncadd.s32 $0xFFFFC000  }
0x6d: {  	[tilespmem:s16], [sflag:$0x2] =	stream.linear.gather [hbm4b:s21+s3], $0x80, $0x38;
	[tilespmem:$0x18100] =	vst v63  }
0x6e: {  	_ =	swait.ge [sflag:s15], $0x80  }
.Ltmp1:
0x6f: {  	[sflag:s15] =	ssyncset.done $0x0;
	(pc) =	sbr.rel @p0 .LBB2_4-.Ltmp1, $4  }
0x70: {  	[sflag:s15] =	ssyncadd.s32 $0xFFFFFF80  }
0x71: {  	[spmem:s2] =	stream.indirect.scatter.add.f32 [tilespmem:s17], [sflag:$0x2], $0x80, s16, s16, $0xb8;
	[tilespmem:$0x18100] =	vst v63  }
0x72: {  	_ =	swait.ge [sflag:s15], $0x4000  }
0x73: {  	s21 =	smov.u32 s24;
	[sflag:s15] =	ssyncset.done $0x0  }
0x74: {  	s21 =	sadd.s32 s20, s13;
	[sflag:s15] =	ssyncadd.s32 $0xFFFFC000  }
0x75: {  	[tilespmem:s3], [sflag:$0x2] =	stream.linear.gather [hbm4b:s21+s3], $0x80, $0x38;
	[tilespmem:$0x18100] =	vst v63  }
0x76: {  	_ =	swait.ge [sflag:s15], $0x80  }
0x77: {  	[sflag:s15] =	ssyncset.done $0x0  }
0x78: {  	[sflag:s15] =	ssyncadd.s32 $0xFFFFFF80  }
0x79: {  	[tilespmem:s17], [sflag:$0x1] =	stream.indirect.gather [hbm4b:s4+s16], $0x80, s3, s16, $0xb8;
	[tilespmem:$0x18100] =	vst v63  }
0x7a: {  	_ =	swait.ge [sflag:s18], $0x4000  }
0x7b: {  	[sflag:s18] =	ssyncset.done $0x0  }
0x7c: {  	s31 =	sadd.s32 s20, s12;
	[sflag:s18] =	ssyncadd.s32 $0xFFFFC000  }
0x7d: {  	[tilespmem:s16], [sflag:$0x2] =	stream.linear.gather [hbm4b:s31+s3], $0x80, $0x38;
	[tilespmem:$0x18100] =	vst v63  }
0x7e: {  	_ =	swait.ge [sflag:s15], $0x80  }
0x7f: {  	[sflag:s15] =	ssyncset.done $0x0  }
0x80: {  	[sflag:s15] =	ssyncadd.s32 $0xFFFFFF80  }
0x81: {  	[spmem:s2] =	stream.indirect.scatter.add.f32 [tilespmem:s17], [sflag:$0x2], $0x80, s16, s16, $0xb8;
	[tilespmem:$0x18100] =	vst v63  }
0x82: {  	_ =	swait.ge [sflag:s15], $0x4000  }
0x83: {  	[sflag:s15] =	ssyncset.done $0x0  }
0x84: {  	s19 =	sadd.s32 $0x1, s19;
	[sflag:s15] =	ssyncadd.s32 $0xFFFFC000  }
0x85: {  	p0 =	sne.s32 s19, s10;
	[bflag:$0x0] =	sbarrier.arrive $0xFFFF  }
0x86: {  	[hbm:s9], [sflag:s6] =	dma.local [spmem:s14], $0x2800  }
.Ltmp2:
0x87: {  	_ =	swait.ge [sflag:s15], $0x2800;
	(pc) =	sbr.rel @p0 .LBB2_1-.Ltmp2, $3  }
0x88: {  	[sflag:s15] =	ssyncset.done $0x0  }
0x89: {  	[sflag:s15] =	ssyncadd.s32 $0xFFFFD800  }
0x8a: {  	[bflag:$0x0] =	sbarrier.arrive $0xFFFF;
	_ =	sdelay $0x1  }
0x8b: {  	_ =	sfence.sel $0x180000  }
0x8c: {  	[bflag:$0x0] =	sbarrier.arrive $0xFFFF  }
0x8d: {  	p0 =	sne.s32 s1, $0x0;
	_ =	strace $0x9000004A  }
0x8e: {  	s0 =	sadd.s32 @!p0 $0x100000, s0;
	[bflag:$0x2] =	sbarrier.arrive $0xFFFF  }
0x8f: {  	[sflag:s0] =	ssyncadd.tile.s32 @!p0 $0x1;
	_ =	shalt  }
.Lfunc_end2:
_tile_overlayer_lowered:
.L_overlay_start_2:
0x90: {  	(tag) =	ssettag $0x2  }
0x91: {  	s0 =	rddreg [dreg:$0x0];
	s2 =	stileid.u32  }
0x92: {  	s1 =	rddreg [dreg:$0x1];
	p0 =	sne.s32 s2, $0x0  }
0x93: {  	s3 =	rddreg [dreg:$0x2];
	[bflag:$0x3] =	sbarrier.arrive $0xFFFF;
	s2 =	simm.s32 @!p0 $0x1C02  }
0x94: {  	[timem:s3], [sflag:s2] =	dma.local @!p0 [hbm:s0], s1  }
0x95: {  	s0 =	simm.s32 @!p0 $0x2  }
0x96: {  	_ =	swait.ge @!p0 [sflag:s0], s1  }
0x97: {  	s1 =	ssub.s32 @!p0 $0x0, s1;
	[sflag:s0] =	ssyncset.done @!p0 $0x0  }
0x98: {  	[sflag:s0] =	ssyncadd.s32 @!p0 s1  }
0x99: {  	[bflag:$0x3] =	sbarrier.arrive $0xFFFF  }
0x9a: {  	_ =	shalt  }

</sc_bundles>
